<compile_context>
chip_gen: v7x
topology: tpu7x:2x2x1
jax: 0.10.2.dev20260603
libtpu: 0.0.44.dev20260713+nightly
codegen_flags: <defaults>
</compile_context>

<pallas_src>
import functools

import jax
import jax.numpy as jnp
from jax import lax
from jax.experimental import pallas as pl
from jax.experimental.pallas import tpu as pltpu
from jax.experimental.pallas import tpu_sc as plsc

H = 768
F = 1024
E = 64
K = 2
S = 2048
P = S * K
BLK = 128
LOG2BLK = 7
G = 96
NSLOT = G * BLK
NEG = -1e30

_MESH = plsc.VectorSubcoreMesh(core_axis_name="c", subcore_axis_name="s")
_SC_PARAMS = pltpu.CompilerParams(needs_layout_passes=False)


def _router_body(x_ref, gw_ref, topi_ref, topw_ref):
    logits = jnp.dot(x_ref[...], gw_ref[...], preferred_element_type=jnp.float32)
    idx = lax.broadcasted_iota(jnp.int32, (S, E), 1)
    m1 = jnp.max(logits, axis=1, keepdims=True)
    a1 = jnp.min(jnp.where(logits >= m1, idx, E), axis=1, keepdims=True)
    l2 = jnp.where(idx == a1, NEG, logits)
    m2 = jnp.max(l2, axis=1, keepdims=True)
    a2 = jnp.min(jnp.where((l2 >= m2) & (idx != a1), idx, E), axis=1, keepdims=True)
    e2 = jnp.exp(m2 - m1)
    w1 = 1.0 / (1.0 + e2)
    topi_ref[...] = jnp.concatenate([a1, a2], axis=1)
    topw_ref[...] = jnp.concatenate([w1, 1.0 - w1], axis=1)


def _router(x, gate_w):
    return pl.pallas_call(
        _router_body,
        out_shape=(
            jax.ShapeDtypeStruct((S, K), jnp.int32),
            jax.ShapeDtypeStruct((S, K), jnp.float32),
        ),
    )(x, gate_w)


def _iota16():
    return lax.broadcasted_iota(jnp.int32, (16,), 0)


@functools.partial(
    pl.kernel,
    mesh=_MESH,
    out_type=(
        jax.ShapeDtypeStruct((NSLOT,), jnp.int32),
        jax.ShapeDtypeStruct((NSLOT,), jnp.float32),
        jax.ShapeDtypeStruct((G,), jnp.int32),
        jax.ShapeDtypeStruct((G,), jnp.int32),
    ),
    scratch_types=(
        pltpu.VMEM((P,), jnp.int32),
        pltpu.VMEM((P,), jnp.int32),
        pltpu.VMEM((E,), jnp.int32),
        pltpu.VMEM((E,), jnp.int32),
        pltpu.VMEM((112,), jnp.int32),
        pltpu.VMEM((NSLOT,), jnp.int32),
        pltpu.VMEM((P,), jnp.float32),
        pltpu.VMEM((NSLOT,), jnp.float32),
        pltpu.VMEM((G,), jnp.int32),
        pltpu.VMEM((G,), jnp.int32),
    ),
    compiler_params=_SC_PARAMS,
)
def _plan(eid_hbm, wp_hbm, src_hbm, ws_hbm, be_hbm, bv_hbm,
          eid_v, rank_v, cnt_v, po_v, eh_v, src_v, wp_v, ws_v, be_v, bv_v):
    wid = lax.axis_index("s") * 2 + lax.axis_index("c")

    @pl.when(wid == 0)
    def _():
        pltpu.sync_copy(eid_hbm, eid_v)
        pltpu.sync_copy(wp_hbm, wp_v)
        zeros = jnp.zeros((16,), jnp.int32)
        for g in range(E // 16):
            cnt_v[pl.ds(g * 16, 16)] = zeros

        def rank_body(g, c):
            for u in range(2):
                o = g * 32 + u * 16
                v = eid_v[pl.ds(o, 16)]
                base = plsc.load_gather(cnt_v, (v,))
                dup, lastm = plsc.scan_count(v)
                rank_v[pl.ds(o, 16)] = base + dup - 1
                plsc.store_scatter(cnt_v, (v,), base + dup, mask=lastm)
            return c

        lax.fori_loop(0, P // 32, rank_body, 0)

        for g in range(7):
            eh_v[pl.ds(g * 16, 16)] = zeros
        ones = jnp.ones((16,), jnp.int32)
        carry = jnp.int32(0)
        e_last = jnp.int32(0)
        for g in range(E // 16):
            cnt = cnt_v[pl.ds(g * 16, 16)]
            nb = (cnt + (BLK - 1)) >> LOG2BLK
            incl = plsc.cumsum(nb)
            excl = carry + incl - nb
            po_v[pl.ds(g * 16, 16)] = excl * BLK
            plsc.addupdate_scatter(eh_v, (excl + nb,), ones)
            carry = carry + jnp.max(incl, axis=0)
            gid = _iota16() + g * 16
            e_last = jnp.maximum(e_last, jnp.max(jnp.where(cnt > 0, gid, -1), axis=0))
        nblocks = carry

        bcarry = jnp.int32(0)
        for g in range(G // 16):
            h = eh_v[pl.ds(g * 16, 16)]
            c = plsc.cumsum(h) + bcarry
            bid = _iota16() + g * 16
            valid = bid < nblocks
            be_v[pl.ds(g * 16, 16)] = jnp.where(valid, jnp.minimum(c, E - 1), e_last)
            bv_v[pl.ds(g * 16, 16)] = jnp.where(valid, 1, 0)
            bcarry = jnp.max(c, axis=0)

        fzeros = jnp.zeros((16,), jnp.float32)

        def zero_body(g, c):
            for u in range(4):
                ws_v[pl.ds(g * 64 + u * 16, 16)] = fzeros
            return c

        lax.fori_loop(0, NSLOT // 64, zero_body, 0)

        def dest_body(g, c):
            for u in range(2):
                o = g * 32 + u * 16
                v = eid_v[pl.ds(o, 16)]
                d = plsc.load_gather(po_v, (v,)) + rank_v[pl.ds(o, 16)]
                tok = (_iota16() + o) >> 1
                plsc.store_scatter(src_v, (d,), tok)
                plsc.store_scatter(ws_v, (d,), wp_v[pl.ds(o, 16)])
            return c

        lax.fori_loop(0, P // 32, dest_body, 0)

        pltpu.sync_copy(src_v, src_hbm)
        pltpu.sync_copy(ws_v, ws_hbm)
        pltpu.sync_copy(be_v, be_hbm)
        pltpu.sync_copy(bv_v, bv_hbm)


def _ffn_body(be_ref, bv_ref, srcc_ref, srcr_ref, wsc_ref, x_ref,
              w1_ref, w3_ref, w2_ref, out_ref):
    b = pl.program_id(0)

    @pl.when(b == 0)
    def _():
        out_ref[...] = jnp.zeros_like(out_ref)

    @pl.when(bv_ref[b] != 0)
    def _():
        tcol = srcc_ref[pl.ds(b * BLK, BLK), :]
        iota1 = lax.broadcasted_iota(jnp.int32, (BLK, S), 1)
        sel = (tcol == iota1).astype(jnp.bfloat16)
        xb = jnp.dot(sel, x_ref[...], preferred_element_type=jnp.float32)
        xb = xb.astype(jnp.bfloat16)
        g = jnp.dot(xb, w1_ref[0].astype(jnp.bfloat16),
                    preferred_element_type=jnp.float32)
        u = jnp.dot(xb, w3_ref[0].astype(jnp.bfloat16),
                    preferred_element_type=jnp.float32)
        act = g * (1.0 / (1.0 + jnp.exp(-g)))
        part = jnp.dot((act * u).astype(jnp.bfloat16),
                       w2_ref[0].astype(jnp.bfloat16),
                       preferred_element_type=jnp.float32)
        yw = (part * wsc_ref[pl.ds(b * BLK, BLK), :]).astype(jnp.bfloat16)
        srow = srcr_ref[b]
        iota0 = lax.broadcasted_iota(jnp.int32, (S, BLK), 0)
        selT = (iota0 == srow).astype(jnp.bfloat16)
        out_ref[...] += jnp.dot(selT, yw, preferred_element_type=jnp.float32)


def _ffn(be, bv, src_col, src_row, ws_col, x, w1, w3, w2):
    grid_spec = pltpu.PrefetchScalarGridSpec(
        num_scalar_prefetch=2,
        grid=(G,),
        in_specs=[
            pl.BlockSpec((NSLOT, 1), lambda b, be, bv: (0, 0)),
            pl.BlockSpec((G, 1, BLK), lambda b, be, bv: (0, 0, 0)),
            pl.BlockSpec((NSLOT, 1), lambda b, be, bv: (0, 0)),
            pl.BlockSpec((S, H), lambda b, be, bv: (0, 0)),
            pl.BlockSpec((1, H, F), lambda b, be, bv: (be[b], 0, 0)),
            pl.BlockSpec((1, H, F), lambda b, be, bv: (be[b], 0, 0)),
            pl.BlockSpec((1, F, H), lambda b, be, bv: (be[b], 0, 0)),
        ],
        out_specs=pl.BlockSpec((S, H), lambda b, be, bv: (0, 0)),
    )
    x = x.astype(jnp.bfloat16)
    return pl.pallas_call(
        _ffn_body,
        grid_spec=grid_spec,
        out_shape=jax.ShapeDtypeStruct((S, H), jnp.float32),
        compiler_params=pltpu.CompilerParams(vmem_limit_bytes=117 * 1024 * 1024),
    )(be, bv, src_col, src_row, ws_col, x, w1, w3, w2)


def kernel(hidden_states, gate_w, w1, w2, w3):
    b, s, h = hidden_states.shape
    x = hidden_states.reshape(s, h)
    topi, topw = _router(x, gate_w)
    src, ws, be, bv = _plan(topi.reshape(-1), topw.reshape(-1))
    out = _ffn(be, bv, src.reshape(NSLOT, 1), src.reshape(G, 1, BLK),
               ws.reshape(NSLOT, 1), x, w1, w3, w2)
    return out.reshape(b, s, h)

# --- scband reference (transcript-rebuilt; emitter-appended) ---
"""Pipeline reference for scband-mo-efeed-forward-46677704573315 (READ-ONLY COPY).

The authoritative reference and input builder live on the scoring server;
editing this copy changes nothing except your own understanding.
"""

import jax, jax.numpy as jnp
import numpy as np

H = 768
F = 1024
E = 64
K = 2
B = 1
S = 2048

def setup_inputs(seed: int = 0) -> dict:
    key = jax.random.key(seed)
    ks = jax.random.split(key, 5)
    x = jax.random.normal(ks[0], (B, S, H), dtype=jnp.float32)
    gate_w = jax.random.normal(ks[1], (H, E), dtype=jnp.float32) * (1.0 / np.sqrt(H))
    w1 = jax.random.normal(ks[2], (E, H, F), dtype=jnp.float32) * 0.02
    w2 = jax.random.normal(ks[3], (E, F, H), dtype=jnp.float32) * 0.02
    w3 = jax.random.normal(ks[4], (E, H, F), dtype=jnp.float32) * 0.02
    return {"hidden_states": x, "gate_w": gate_w, "w1": w1, "w2": w2, "w3": w3}

def reference(hidden_states, gate_w, w1, w2, w3):
    b, s, h = hidden_states.shape
    flat = hidden_states.reshape(-1, h)
    gate_logits = flat @ gate_w
    gates = jax.nn.softmax(gate_logits, axis=-1)
    topv, topi = jax.lax.top_k(gates, K)
    topv = topv / jnp.sum(topv, axis=-1, keepdims=True)
    out = jnp.zeros_like(flat)
    num_experts = w1.shape[0]
    def body(acc, inputs):
        e, we1, we2, we3 = inputs
        gw_sel = jnp.sum(jnp.where(topi == e, topv, jnp.zeros_like(topv)), axis=-1)[:, None]
        gate_act = jax.nn.silu(flat @ we1)
        up = flat @ we3
        ye = (gate_act * up) @ we2
        return acc + ye * gw_sel, None
    out, _ = jax.lax.scan(body, out, (jnp.arange(num_experts, dtype=topi.dtype), w1, w2, w3))
    return out.reshape(b, s, h)

if __name__ == "__main__":
    import jax
    _d = setup_inputs()
    print(jax.jit(kernel)(*tuple(_d.values())))

</pallas_src>

<mosaic_0001>
#map = affine_map<(d0, d1) -> (0)>
module attributes {stable_mosaic.version = 14 : i64} {
  func.func @_plan(%arg0: i32, %arg1: i32, %arg2: memref<4096xi32, #tpu.memory_space<hbm>>, %arg3: memref<4096xf32, #tpu.memory_space<hbm>>, %arg4: memref<12288xi32, #tpu.memory_space<hbm>>, %arg5: memref<12288xf32, #tpu.memory_space<hbm>>, %arg6: memref<96xi32, #tpu.memory_space<hbm>>, %arg7: memref<96xi32, #tpu.memory_space<hbm>>, %arg8: memref<4096xi32, #tpu.memory_space<vmem>>, %arg9: memref<4096xi32, #tpu.memory_space<vmem>>, %arg10: memref<64xi32, #tpu.memory_space<vmem>>, %arg11: memref<64xi32, #tpu.memory_space<vmem>>, %arg12: memref<112xi32, #tpu.memory_space<vmem>>, %arg13: memref<12288xi32, #tpu.memory_space<vmem>>, %arg14: memref<4096xf32, #tpu.memory_space<vmem>>, %arg15: memref<12288xf32, #tpu.memory_space<vmem>>, %arg16: memref<96xi32, #tpu.memory_space<vmem>>, %arg17: memref<96xi32, #tpu.memory_space<vmem>>) attributes {dimension_semantics = [#tpu.dimension_semantics<core_parallel>, #tpu.dimension_semantics<subcore_parallel>], iteration_bounds = array<i64: 2, 16>, scalar_prefetch = 0 : i64, scratch_operands = 10 : i64, tpu.core_type = #tpu.core_type<sc_vector_subcore>, window_params = [{transform_indices = #map}, {transform_indices = #map}, {transform_indices = #map}, {transform_indices = #map}, {transform_indices = #map}, {transform_indices = #map}]} {
    %mul3A = arith.constant 2 : i32
    %mul3A_0 = arith.muli %arg1, %mul3A : i32
    %add3A = arith.addi %mul3A_0, %arg0 : i32
    %eq3A = arith.constant 0 : i32
    %eq3A_1 = arith.cmpi eq, %add3A, %eq3A : i32
    %convert_element_type3A = arith.extui %eq3A_1 : i1 to i32
    %cond3A = arith.constant 0 : i32
    %cond3A_2 = arith.cmpi ne, %convert_element_type3A, %cond3A : i32
    scf.if %cond3A_2 {
      "tpu.region"() ({
        %run_scoped3A = tpu.sem_alloc : memref<!tpu.dma_semaphore, #tpu.memory_space<semaphore_mem>>
        tpu.enqueue_dma source(%arg2 : memref<4096xi32, #tpu.memory_space<hbm>>) target(%arg8 : memref<4096xi32, #tpu.memory_space<vmem>>) target_semaphore(%run_scoped3A : memref<!tpu.dma_semaphore, #tpu.memory_space<semaphore_mem>>)
        tpu.wait_dma2 semaphore(%run_scoped3A : memref<!tpu.dma_semaphore, #tpu.memory_space<semaphore_mem>>) src(%arg2 : memref<4096xi32, #tpu.memory_space<hbm>>) dst(%arg8 : memref<4096xi32, #tpu.memory_space<vmem>>)
        tpu.yield
      }) : () -> ()
      "tpu.region"() ({
        %run_scoped3A = tpu.sem_alloc : memref<!tpu.dma_semaphore, #tpu.memory_space<semaphore_mem>>
        tpu.enqueue_dma source(%arg3 : memref<4096xf32, #tpu.memory_space<hbm>>) target(%arg14 : memref<4096xf32, #tpu.memory_space<vmem>>) target_semaphore(%run_scoped3A : memref<!tpu.dma_semaphore, #tpu.memory_space<semaphore_mem>>)
        tpu.wait_dma2 semaphore(%run_scoped3A : memref<!tpu.dma_semaphore, #tpu.memory_space<semaphore_mem>>) src(%arg3 : memref<4096xf32, #tpu.memory_space<hbm>>) dst(%arg14 : memref<4096xf32, #tpu.memory_space<vmem>>)
        tpu.yield
      }) : () -> ()
      %broadcast_in_dim3A = arith.constant 0 : i32
      %broadcast_in_dim3A_3 = vector.broadcast %broadcast_in_dim3A : i32 to vector<16xi32>
      %swap3A = arith.constant 0 : index
      %swap3A_4 = tpu.vector_load %arg10[%swap3A] {strides = array<i32>} : memref<64xi32, #tpu.memory_space<vmem>>, vector<16xi32>,
      tpu.vector_store %arg10[%swap3A], %broadcast_in_dim3A_3 {strides = array<i32>} : memref<64xi32, #tpu.memory_space<vmem>>, vector<16xi32>,
      %swap3A_5 = arith.constant 16 : index
      %swap3A_6 = tpu.vector_load %arg10[%swap3A_5] {strides = array<i32>} : memref<64xi32, #tpu.memory_space<vmem>>, vector<16xi32>,
      tpu.vector_store %arg10[%swap3A_5], %broadcast_in_dim3A_3 {strides = array<i32>} : memref<64xi32, #tpu.memory_space<vmem>>, vector<16xi32>,
      %swap3A_7 = arith.constant 32 : index
      %swap3A_8 = tpu.vector_load %arg10[%swap3A_7] {strides = array<i32>} : memref<64xi32, #tpu.memory_space<vmem>>, vector<16xi32>,
      tpu.vector_store %arg10[%swap3A_7], %broadcast_in_dim3A_3 {strides = array<i32>} : memref<64xi32, #tpu.memory_space<vmem>>, vector<16xi32>,
      %swap3A_9 = arith.constant 48 : index
      %swap3A_10 = tpu.vector_load %arg10[%swap3A_9] {strides = array<i32>} : memref<64xi32, #tpu.memory_space<vmem>>, vector<16xi32>,
      tpu.vector_store %arg10[%swap3A_9], %broadcast_in_dim3A_3 {strides = array<i32>} : memref<64xi32, #tpu.memory_space<vmem>>, vector<16xi32>,
      %scan3A = arith.constant 0 : i32
      %scan3A_11 = arith.constant 0 : i32
      %scan3A_12 = arith.constant 128 : i32
      %scan3A_13 = arith.addi %scan3A_11, %scan3A_12 : i32
      %scan3A_14 = arith.constant 1 : i32
      scf.for %scan3A_440 = %scan3A_11 to %scan3A_13 step %scan3A_14  : i32 {
        %mul3A_441 = arith.constant 32 : i32
        %mul3A_442 = arith.muli %scan3A_440, %mul3A_441 : i32
        %add3A_443 = arith.constant 0 : i32
        %add3A_444 = arith.addi %mul3A_442, %add3A_443 : i32
        %get3A_445 = arith.index_cast %add3A_444 : i32 to index
        %get3A_446 = tpu.vector_load %arg8[%get3A_445] {strides = array<i32>} : memref<4096xi32, #tpu.memory_space<vmem>>, vector<16xi32>,
        %gather3A = tpu.vector_load_idx %arg10[%get3A_446] : memref<64xi32, #tpu.memory_space<vmem>>[vector<16xi32>], vector<16xi32>,
        %broadcast_in_dim3A_447 = arith.constant true
        %broadcast_in_dim3A_448 = vector.broadcast %broadcast_in_dim3A_447 : i1 to vector<16xi1>
        %unique3A, %unique3A_449 = tpu.scan_count mask(%broadcast_in_dim3A_448 : vector<16xi1>) value(%get3A_446 : vector<16xi32>) : vector<16xi1>, vector<16xi32>
        %add3A_450 = arith.addi %gather3A, %unique3A_449 : vector<16xi32>
        %sub3A_451 = arith.constant 1 : i32
        %sub3A_452 = vector.broadcast %sub3A_451 : i32 to vector<16xi32>
        %sub3A_453 = arith.subi %add3A_450, %sub3A_452 : vector<16xi32>
        %swap3A_454 = arith.index_cast %add3A_444 : i32 to index
        %swap3A_455 = tpu.vector_load %arg9[%swap3A_454] {strides = array<i32>} : memref<4096xi32, #tpu.memory_space<vmem>>, vector<16xi32>,
        tpu.vector_store %arg9[%swap3A_454], %sub3A_453 {strides = array<i32>} : memref<4096xi32, #tpu.memory_space<vmem>>, vector<16xi32>,
        %add3A_456 = arith.addi %gather3A, %unique3A_449 : vector<16xi32>
        tpu.vector_store_idx %arg10[%get3A_446], %add3A_456 masked %unique3A : memref<64xi32, #tpu.memory_space<vmem>>[vector<16xi32>], vector<16xi32>, vector<16xi1>
        %mul3A_457 = arith.constant 32 : i32
        %mul3A_458 = arith.muli %scan3A_440, %mul3A_457 : i32
        %add3A_459 = arith.constant 16 : i32
        %add3A_460 = arith.addi %mul3A_458, %add3A_459 : i32
        %get3A_461 = arith.index_cast %add3A_460 : i32 to index
        %get3A_462 = tpu.vector_load %arg8[%get3A_461] {strides = array<i32>} : memref<4096xi32, #tpu.memory_space<vmem>>, vector<16xi32>,
        %gather3A_463 = tpu.vector_load_idx %arg10[%get3A_462] : memref<64xi32, #tpu.memory_space<vmem>>[vector<16xi32>], vector<16xi32>,
        %broadcast_in_dim3A_464 = arith.constant true
        %broadcast_in_dim3A_465 = vector.broadcast %broadcast_in_dim3A_464 : i1 to vector<16xi1>
        %unique3A_466, %unique3A_467 = tpu.scan_count mask(%broadcast_in_dim3A_465 : vector<16xi1>) value(%get3A_462 : vector<16xi32>) : vector<16xi1>, vector<16xi32>
        %add3A_468 = arith.addi %gather3A_463, %unique3A_467 : vector<16xi32>
        %sub3A_469 = arith.constant 1 : i32
        %sub3A_470 = vector.broadcast %sub3A_469 : i32 to vector<16xi32>
        %sub3A_471 = arith.subi %add3A_468, %sub3A_470 : vector<16xi32>
        %swap3A_472 = arith.index_cast %add3A_460 : i32 to index
        %swap3A_473 = tpu.vector_load %arg9[%swap3A_472] {strides = array<i32>} : memref<4096xi32, #tpu.memory_space<vmem>>, vector<16xi32>,
        tpu.vector_store %arg9[%swap3A_472], %sub3A_471 {strides = array<i32>} : memref<4096xi32, #tpu.memory_space<vmem>>, vector<16xi32>,
        %add3A_474 = arith.addi %gather3A_463, %unique3A_467 : vector<16xi32>
        tpu.vector_store_idx %arg10[%get3A_462], %add3A_474 masked %unique3A_466 : memref<64xi32, #tpu.memory_space<vmem>>[vector<16xi32>], vector<16xi32>, vector<16xi1>
      }
      %scan3A_15 = arith.constant 128 : i32
      %swap3A_16 = arith.constant 0 : index
      %swap3A_17 = tpu.vector_load %arg12[%swap3A_16] {strides = array<i32>} : memref<112xi32, #tpu.memory_space<vmem>>, vector<16xi32>,
      tpu.vector_store %arg12[%swap3A_16], %broadcast_in_dim3A_3 {strides = array<i32>} : memref<112xi32, #tpu.memory_space<vmem>>, vector<16xi32>,
      %swap3A_18 = arith.constant 16 : index
      %swap3A_19 = tpu.vector_load %arg12[%swap3A_18] {strides = array<i32>} : memref<112xi32, #tpu.memory_space<vmem>>, vector<16xi32>,
      tpu.vector_store %arg12[%swap3A_18], %broadcast_in_dim3A_3 {strides = array<i32>} : memref<112xi32, #tpu.memory_space<vmem>>, vector<16xi32>,
      %swap3A_20 = arith.constant 32 : index
      %swap3A_21 = tpu.vector_load %arg12[%swap3A_20] {strides = array<i32>} : memref<112xi32, #tpu.memory_space<vmem>>, vector<16xi32>,
      tpu.vector_store %arg12[%swap3A_20], %broadcast_in_dim3A_3 {strides = array<i32>} : memref<112xi32, #tpu.memory_space<vmem>>, vector<16xi32>,
      %swap3A_22 = arith.constant 48 : index
      %swap3A_23 = tpu.vector_load %arg12[%swap3A_22] {strides = array<i32>} : memref<112xi32, #tpu.memory_space<vmem>>, vector<16xi32>,
      tpu.vector_store %arg12[%swap3A_22], %broadcast_in_dim3A_3 {strides = array<i32>} : memref<112xi32, #tpu.memory_space<vmem>>, vector<16xi32>,
      %swap3A_24 = arith.constant 64 : index
      %swap3A_25 = tpu.vector_load %arg12[%swap3A_24] {strides = array<i32>} : memref<112xi32, #tpu.memory_space<vmem>>, vector<16xi32>,
      tpu.vector_store %arg12[%swap3A_24], %broadcast_in_dim3A_3 {strides = array<i32>} : memref<112xi32, #tpu.memory_space<vmem>>, vector<16xi32>,
      %swap3A_26 = arith.constant 80 : index
      %swap3A_27 = tpu.vector_load %arg12[%swap3A_26] {strides = array<i32>} : memref<112xi32, #tpu.memory_space<vmem>>, vector<16xi32>,
      tpu.vector_store %arg12[%swap3A_26], %broadcast_in_dim3A_3 {strides = array<i32>} : memref<112xi32, #tpu.memory_space<vmem>>, vector<16xi32>,
      %swap3A_28 = arith.constant 96 : index
      %swap3A_29 = tpu.vector_load %arg12[%swap3A_28] {strides = array<i32>} : memref<112xi32, #tpu.memory_space<vmem>>, vector<16xi32>,
      tpu.vector_store %arg12[%swap3A_28], %broadcast_in_dim3A_3 {strides = array<i32>} : memref<112xi32, #tpu.memory_space<vmem>>, vector<16xi32>,
      %broadcast_in_dim3A_30 = arith.constant 1 : i32
      %broadcast_in_dim3A_31 = vector.broadcast %broadcast_in_dim3A_30 : i32 to vector<16xi32>
      %get3A = arith.constant 0 : index
      %get3A_32 = tpu.vector_load %arg10[%get3A] {strides = array<i32>} : memref<64xi32, #tpu.memory_space<vmem>>, vector<16xi32>,
      %add3A_33 = arith.constant 127 : i32
      %add3A_34 = vector.broadcast %add3A_33 : i32 to vector<16xi32>
      %add3A_35 = arith.addi %get3A_32, %add3A_34 : vector<16xi32>
      %shift_right_arithmetic3A = arith.constant 7 : i32
      %shift_right_arithmetic3A_36 = vector.broadcast %shift_right_arithmetic3A : i32 to vector<16xi32>
      %shift_right_arithmetic3A_37 = arith.shrsi %add3A_35, %shift_right_arithmetic3A_36 : vector<16xi32>
      %broadcast_in_dim3A_38 = arith.constant true
      %broadcast_in_dim3A_39 = vector.broadcast %broadcast_in_dim3A_38 : i1 to vector<16xi1>
      %masked_cumsum3A = tpu.scan <sum>, %shift_right_arithmetic3A_37 masked %broadcast_in_dim3A_39 : vector<16xi32>, vector<16xi1> -> vector<16xi32>
      %add3A_40 = arith.constant 0 : i32
      %add3A_41 = vector.broadcast %add3A_40 : i32 to vector<16xi32>
      %add3A_42 = arith.addi %add3A_41, %masked_cumsum3A : vector<16xi32>
      %sub3A = arith.subi %add3A_42, %shift_right_arithmetic3A_37 : vector<16xi32>
      %mul3A_43 = arith.constant 128 : i32
      %mul3A_44 = vector.broadcast %mul3A_43 : i32 to vector<16xi32>
      %mul3A_45 = arith.muli %sub3A, %mul3A_44 : vector<16xi32>
      %swap3A_46 = arith.constant 0 : index
      %swap3A_47 = tpu.vector_load %arg11[%swap3A_46] {strides = array<i32>} : memref<64xi32, #tpu.memory_space<vmem>>, vector<16xi32>,
      tpu.vector_store %arg11[%swap3A_46], %mul3A_45 {strides = array<i32>} : memref<64xi32, #tpu.memory_space<vmem>>, vector<16xi32>,
      %add3A_48 = arith.addi %sub3A, %shift_right_arithmetic3A_37 : vector<16xi32>
      tpu.vector_store_idx %arg12[%add3A_48], %broadcast_in_dim3A_31 {add = true} : memref<112xi32, #tpu.memory_space<vmem>>[vector<16xi32>], vector<16xi32>,
      %reduce_max3A = arith.constant true
      %reduce_max3A_49 = vector.broadcast %reduce_max3A : i1 to vector<16xi1>
      %reduce_max3A_50 = arith.constant -2147483648 : i32
      %reduce_max3A_51 = vector.broadcast %reduce_max3A_50 : i32 to vector<16xi32>
      %reduce_max3A_52 = arith.xori %masked_cumsum3A, %reduce_max3A_51 : vector<16xi32>
      %reduce_max3A_53 = tpu.scan <max>, %reduce_max3A_52 masked %reduce_max3A_49 : vector<16xi32>, vector<16xi1> -> vector<16xi32>
      %reduce_max3A_54 = arith.xori %reduce_max3A_53, %reduce_max3A_51 : vector<16xi32>
      %reduce_max3A_55 = vector.extract %reduce_max3A_54[15] : i32 from vector<16xi32>
      %add3A_56 = arith.constant 0 : i32
      %add3A_57 = arith.addi %add3A_56, %reduce_max3A_55 : i32
      %iota3A = tpu.iota {dimensions = array<i32: 0>} : vector<16xi32>
      %add3A_58 = arith.constant 0 : i32
      %add3A_59 = vector.broadcast %add3A_58 : i32 to vector<16xi32>
      %add3A_60 = arith.addi %iota3A, %add3A_59 : vector<16xi32>
      %gt3A = arith.constant 0 : i32
      %gt3A_61 = vector.broadcast %gt3A : i32 to vector<16xi32>
      %gt3A_62 = arith.cmpi sgt, %get3A_32, %gt3A_61 : vector<16xi32>
      %jit3A = arith.constant -1 : i32
      %broadcast_in_dim3A_63 = vector.broadcast %jit3A : i32 to vector<16xi32>
      %select_n3A = arith.select %gt3A_62, %add3A_60, %broadcast_in_dim3A_63 : vector<16xi1>, vector<16xi32>
      %reduce_max3A_64 = arith.constant true
      %reduce_max3A_65 = vector.broadcast %reduce_max3A_64 : i1 to vector<16xi1>
      %reduce_max3A_66 = arith.constant -2147483648 : i32
      %reduce_max3A_67 = vector.broadcast %reduce_max3A_66 : i32 to vector<16xi32>
      %reduce_max3A_68 = arith.xori %select_n3A, %reduce_max3A_67 : vector<16xi32>
      %reduce_max3A_69 = tpu.scan <max>, %reduce_max3A_68 masked %reduce_max3A_65 : vector<16xi32>, vector<16xi1> -> vector<16xi32>
      %reduce_max3A_70 = arith.xori %reduce_max3A_69, %reduce_max3A_67 : vector<16xi32>
      %reduce_max3A_71 = vector.extract %reduce_max3A_70[15] : i32 from vector<16xi32>
      %max3A = arith.constant 0 : i32
      %max3A_72 = arith.maxsi %max3A, %reduce_max3A_71 : i32
      %get3A_73 = arith.constant 16 : index
      %get3A_74 = tpu.vector_load %arg10[%get3A_73] {strides = array<i32>} : memref<64xi32, #tpu.memory_space<vmem>>, vector<16xi32>,
      %add3A_75 = arith.constant 127 : i32
      %add3A_76 = vector.broadcast %add3A_75 : i32 to vector<16xi32>
      %add3A_77 = arith.addi %get3A_74, %add3A_76 : vector<16xi32>
      %shift_right_arithmetic3A_78 = arith.constant 7 : i32
      %shift_right_arithmetic3A_79 = vector.broadcast %shift_right_arithmetic3A_78 : i32 to vector<16xi32>
      %shift_right_arithmetic3A_80 = arith.shrsi %add3A_77, %shift_right_arithmetic3A_79 : vector<16xi32>
      %broadcast_in_dim3A_81 = arith.constant true
      %broadcast_in_dim3A_82 = vector.broadcast %broadcast_in_dim3A_81 : i1 to vector<16xi1>
      %masked_cumsum3A_83 = tpu.scan <sum>, %shift_right_arithmetic3A_80 masked %broadcast_in_dim3A_82 : vector<16xi32>, vector<16xi1> -> vector<16xi32>
      %add3A_84 = vector.broadcast %add3A_57 : i32 to vector<16xi32>
      %add3A_85 = arith.addi %add3A_84, %masked_cumsum3A_83 : vector<16xi32>
      %sub3A_86 = arith.subi %add3A_85, %shift_right_arithmetic3A_80 : vector<16xi32>
      %mul3A_87 = arith.constant 128 : i32
      %mul3A_88 = vector.broadcast %mul3A_87 : i32 to vector<16xi32>
      %mul3A_89 = arith.muli %sub3A_86, %mul3A_88 : vector<16xi32>
      %swap3A_90 = arith.constant 16 : index
      %swap3A_91 = tpu.vector_load %arg11[%swap3A_90] {strides = array<i32>} : memref<64xi32, #tpu.memory_space<vmem>>, vector<16xi32>,
      tpu.vector_store %arg11[%swap3A_90], %mul3A_89 {strides = array<i32>} : memref<64xi32, #tpu.memory_space<vmem>>, vector<16xi32>,
      %add3A_92 = arith.addi %sub3A_86, %shift_right_arithmetic3A_80 : vector<16xi32>
      tpu.vector_store_idx %arg12[%add3A_92], %broadcast_in_dim3A_31 {add = true} : memref<112xi32, #tpu.memory_space<vmem>>[vector<16xi32>], vector<16xi32>,
      %reduce_max3A_93 = arith.constant true
      %reduce_max3A_94 = vector.broadcast %reduce_max3A_93 : i1 to vector<16xi1>
      %reduce_max3A_95 = arith.constant -2147483648 : i32
      %reduce_max3A_96 = vector.broadcast %reduce_max3A_95 : i32 to vector<16xi32>
      %reduce_max3A_97 = arith.xori %masked_cumsum3A_83, %reduce_max3A_96 : vector<16xi32>
      %reduce_max3A_98 = tpu.scan <max>, %reduce_max3A_97 masked %reduce_max3A_94 : vector<16xi32>, vector<16xi1> -> vector<16xi32>
      %reduce_max3A_99 = arith.xori %reduce_max3A_98, %reduce_max3A_96 : vector<16xi32>
      %reduce_max3A_100 = vector.extract %reduce_max3A_99[15] : i32 from vector<16xi32>
      %add3A_101 = arith.addi %add3A_57, %reduce_max3A_100 : i32
      %iota3A_102 = tpu.iota {dimensions = array<i32: 0>} : vector<16xi32>
      %add3A_103 = arith.constant 16 : i32
      %add3A_104 = vector.broadcast %add3A_103 : i32 to vector<16xi32>
      %add3A_105 = arith.addi %iota3A_102, %add3A_104 : vector<16xi32>
      %gt3A_106 = arith.constant 0 : i32
      %gt3A_107 = vector.broadcast %gt3A_106 : i32 to vector<16xi32>
      %gt3A_108 = arith.cmpi sgt, %get3A_74, %gt3A_107 : vector<16xi32>
      %jit3A_109 = arith.constant -1 : i32
      %broadcast_in_dim3A_110 = vector.broadcast %jit3A_109 : i32 to vector<16xi32>
      %select_n3A_111 = arith.select %gt3A_108, %add3A_105, %broadcast_in_dim3A_110 : vector<16xi1>, vector<16xi32>
      %reduce_max3A_112 = arith.constant true
      %reduce_max3A_113 = vector.broadcast %reduce_max3A_112 : i1 to vector<16xi1>
      %reduce_max3A_114 = arith.constant -2147483648 : i32
      %reduce_max3A_115 = vector.broadcast %reduce_max3A_114 : i32 to vector<16xi32>
      %reduce_max3A_116 = arith.xori %select_n3A_111, %reduce_max3A_115 : vector<16xi32>
      %reduce_max3A_117 = tpu.scan <max>, %reduce_max3A_116 masked %reduce_max3A_113 : vector<16xi32>, vector<16xi1> -> vector<16xi32>
      %reduce_max3A_118 = arith.xori %reduce_max3A_117, %reduce_max3A_115 : vector<16xi32>
      %reduce_max3A_119 = vector.extract %reduce_max3A_118[15] : i32 from vector<16xi32>
      %max3A_120 = arith.maxsi %max3A_72, %reduce_max3A_119 : i32
      %get3A_121 = arith.constant 32 : index
      %get3A_122 = tpu.vector_load %arg10[%get3A_121] {strides = array<i32>} : memref<64xi32, #tpu.memory_space<vmem>>, vector<16xi32>,
      %add3A_123 = arith.constant 127 : i32
      %add3A_124 = vector.broadcast %add3A_123 : i32 to vector<16xi32>
      %add3A_125 = arith.addi %get3A_122, %add3A_124 : vector<16xi32>
      %shift_right_arithmetic3A_126 = arith.constant 7 : i32
      %shift_right_arithmetic3A_127 = vector.broadcast %shift_right_arithmetic3A_126 : i32 to vector<16xi32>
      %shift_right_arithmetic3A_128 = arith.shrsi %add3A_125, %shift_right_arithmetic3A_127 : vector<16xi32>
      %broadcast_in_dim3A_129 = arith.constant true
      %broadcast_in_dim3A_130 = vector.broadcast %broadcast_in_dim3A_129 : i1 to vector<16xi1>
      %masked_cumsum3A_131 = tpu.scan <sum>, %shift_right_arithmetic3A_128 masked %broadcast_in_dim3A_130 : vector<16xi32>, vector<16xi1> -> vector<16xi32>
      %add3A_132 = vector.broadcast %add3A_101 : i32 to vector<16xi32>
      %add3A_133 = arith.addi %add3A_132, %masked_cumsum3A_131 : vector<16xi32>
      %sub3A_134 = arith.subi %add3A_133, %shift_right_arithmetic3A_128 : vector<16xi32>
      %mul3A_135 = arith.constant 128 : i32
      %mul3A_136 = vector.broadcast %mul3A_135 : i32 to vector<16xi32>
      %mul3A_137 = arith.muli %sub3A_134, %mul3A_136 : vector<16xi32>
      %swap3A_138 = arith.constant 32 : index
      %swap3A_139 = tpu.vector_load %arg11[%swap3A_138] {strides = array<i32>} : memref<64xi32, #tpu.memory_space<vmem>>, vector<16xi32>,
      tpu.vector_store %arg11[%swap3A_138], %mul3A_137 {strides = array<i32>} : memref<64xi32, #tpu.memory_space<vmem>>, vector<16xi32>,
      %add3A_140 = arith.addi %sub3A_134, %shift_right_arithmetic3A_128 : vector<16xi32>
      tpu.vector_store_idx %arg12[%add3A_140], %broadcast_in_dim3A_31 {add = true} : memref<112xi32, #tpu.memory_space<vmem>>[vector<16xi32>], vector<16xi32>,
      %reduce_max3A_141 = arith.constant true
      %reduce_max3A_142 = vector.broadcast %reduce_max3A_141 : i1 to vector<16xi1>
      %reduce_max3A_143 = arith.constant -2147483648 : i32
      %reduce_max3A_144 = vector.broadcast %reduce_max3A_143 : i32 to vector<16xi32>
      %reduce_max3A_145 = arith.xori %masked_cumsum3A_131, %reduce_max3A_144 : vector<16xi32>
      %reduce_max3A_146 = tpu.scan <max>, %reduce_max3A_145 masked %reduce_max3A_142 : vector<16xi32>, vector<16xi1> -> vector<16xi32>
      %reduce_max3A_147 = arith.xori %reduce_max3A_146, %reduce_max3A_144 : vector<16xi32>
      %reduce_max3A_148 = vector.extract %reduce_max3A_147[15] : i32 from vector<16xi32>
      %add3A_149 = arith.addi %add3A_101, %reduce_max3A_148 : i32
      %iota3A_150 = tpu.iota {dimensions = array<i32: 0>} : vector<16xi32>
      %add3A_151 = arith.constant 32 : i32
      %add3A_152 = vector.broadcast %add3A_151 : i32 to vector<16xi32>
      %add3A_153 = arith.addi %iota3A_150, %add3A_152 : vector<16xi32>
      %gt3A_154 = arith.constant 0 : i32
      %gt3A_155 = vector.broadcast %gt3A_154 : i32 to vector<16xi32>
      %gt3A_156 = arith.cmpi sgt, %get3A_122, %gt3A_155 : vector<16xi32>
      %jit3A_157 = arith.constant -1 : i32
      %broadcast_in_dim3A_158 = vector.broadcast %jit3A_157 : i32 to vector<16xi32>
      %select_n3A_159 = arith.select %gt3A_156, %add3A_153, %broadcast_in_dim3A_158 : vector<16xi1>, vector<16xi32>
      %reduce_max3A_160 = arith.constant true
      %reduce_max3A_161 = vector.broadcast %reduce_max3A_160 : i1 to vector<16xi1>
      %reduce_max3A_162 = arith.constant -2147483648 : i32
      %reduce_max3A_163 = vector.broadcast %reduce_max3A_162 : i32 to vector<16xi32>
      %reduce_max3A_164 = arith.xori %select_n3A_159, %reduce_max3A_163 : vector<16xi32>
      %reduce_max3A_165 = tpu.scan <max>, %reduce_max3A_164 masked %reduce_max3A_161 : vector<16xi32>, vector<16xi1> -> vector<16xi32>
      %reduce_max3A_166 = arith.xori %reduce_max3A_165, %reduce_max3A_163 : vector<16xi32>
      %reduce_max3A_167 = vector.extract %reduce_max3A_166[15] : i32 from vector<16xi32>
      %max3A_168 = arith.maxsi %max3A_120, %reduce_max3A_167 : i32
      %get3A_169 = arith.constant 48 : index
      %get3A_170 = tpu.vector_load %arg10[%get3A_169] {strides = array<i32>} : memref<64xi32, #tpu.memory_space<vmem>>, vector<16xi32>,
      %add3A_171 = arith.constant 127 : i32
      %add3A_172 = vector.broadcast %add3A_171 : i32 to vector<16xi32>
      %add3A_173 = arith.addi %get3A_170, %add3A_172 : vector<16xi32>
      %shift_right_arithmetic3A_174 = arith.constant 7 : i32
      %shift_right_arithmetic3A_175 = vector.broadcast %shift_right_arithmetic3A_174 : i32 to vector<16xi32>
      %shift_right_arithmetic3A_176 = arith.shrsi %add3A_173, %shift_right_arithmetic3A_175 : vector<16xi32>
      %broadcast_in_dim3A_177 = arith.constant true
      %broadcast_in_dim3A_178 = vector.broadcast %broadcast_in_dim3A_177 : i1 to vector<16xi1>
      %masked_cumsum3A_179 = tpu.scan <sum>, %shift_right_arithmetic3A_176 masked %broadcast_in_dim3A_178 : vector<16xi32>, vector<16xi1> -> vector<16xi32>
      %add3A_180 = vector.broadcast %add3A_149 : i32 to vector<16xi32>
      %add3A_181 = arith.addi %add3A_180, %masked_cumsum3A_179 : vector<16xi32>
      %sub3A_182 = arith.subi %add3A_181, %shift_right_arithmetic3A_176 : vector<16xi32>
      %mul3A_183 = arith.constant 128 : i32
      %mul3A_184 = vector.broadcast %mul3A_183 : i32 to vector<16xi32>
      %mul3A_185 = arith.muli %sub3A_182, %mul3A_184 : vector<16xi32>
      %swap3A_186 = arith.constant 48 : index
      %swap3A_187 = tpu.vector_load %arg11[%swap3A_186] {strides = array<i32>} : memref<64xi32, #tpu.memory_space<vmem>>, vector<16xi32>,
      tpu.vector_store %arg11[%swap3A_186], %mul3A_185 {strides = array<i32>} : memref<64xi32, #tpu.memory_space<vmem>>, vector<16xi32>,
      %add3A_188 = arith.addi %sub3A_182, %shift_right_arithmetic3A_176 : vector<16xi32>
      tpu.vector_store_idx %arg12[%add3A_188], %broadcast_in_dim3A_31 {add = true} : memref<112xi32, #tpu.memory_space<vmem>>[vector<16xi32>], vector<16xi32>,
      %reduce_max3A_189 = arith.constant true
      %reduce_max3A_190 = vector.broadcast %reduce_max3A_189 : i1 to vector<16xi1>
      %reduce_max3A_191 = arith.constant -2147483648 : i32
      %reduce_max3A_192 = vector.broadcast %reduce_max3A_191 : i32 to vector<16xi32>
      %reduce_max3A_193 = arith.xori %masked_cumsum3A_179, %reduce_max3A_192 : vector<16xi32>
      %reduce_max3A_194 = tpu.scan <max>, %reduce_max3A_193 masked %reduce_max3A_190 : vector<16xi32>, vector<16xi1> -> vector<16xi32>
      %reduce_max3A_195 = arith.xori %reduce_max3A_194, %reduce_max3A_192 : vector<16xi32>
      %reduce_max3A_196 = vector.extract %reduce_max3A_195[15] : i32 from vector<16xi32>
      %add3A_197 = arith.addi %add3A_149, %reduce_max3A_196 : i32
      %iota3A_198 = tpu.iota {dimensions = array<i32: 0>} : vector<16xi32>
      %add3A_199 = arith.constant 48 : i32
      %add3A_200 = vector.broadcast %add3A_199 : i32 to vector<16xi32>
      %add3A_201 = arith.addi %iota3A_198, %add3A_200 : vector<16xi32>
      %gt3A_202 = arith.constant 0 : i32
      %gt3A_203 = vector.broadcast %gt3A_202 : i32 to vector<16xi32>
      %gt3A_204 = arith.cmpi sgt, %get3A_170, %gt3A_203 : vector<16xi32>
      %jit3A_205 = arith.constant -1 : i32
      %broadcast_in_dim3A_206 = vector.broadcast %jit3A_205 : i32 to vector<16xi32>
      %select_n3A_207 = arith.select %gt3A_204, %add3A_201, %broadcast_in_dim3A_206 : vector<16xi1>, vector<16xi32>
      %reduce_max3A_208 = arith.constant true
      %reduce_max3A_209 = vector.broadcast %reduce_max3A_208 : i1 to vector<16xi1>
      %reduce_max3A_210 = arith.constant -2147483648 : i32
      %reduce_max3A_211 = vector.broadcast %reduce_max3A_210 : i32 to vector<16xi32>
      %reduce_max3A_212 = arith.xori %select_n3A_207, %reduce_max3A_211 : vector<16xi32>
      %reduce_max3A_213 = tpu.scan <max>, %reduce_max3A_212 masked %reduce_max3A_209 : vector<16xi32>, vector<16xi1> -> vector<16xi32>
      %reduce_max3A_214 = arith.xori %reduce_max3A_213, %reduce_max3A_211 : vector<16xi32>
      %reduce_max3A_215 = vector.extract %reduce_max3A_214[15] : i32 from vector<16xi32>
      %max3A_216 = arith.maxsi %max3A_168, %reduce_max3A_215 : i32
      %get3A_217 = arith.constant 0 : index
      %get3A_218 = tpu.vector_load %arg12[%get3A_217] {strides = array<i32>} : memref<112xi32, #tpu.memory_space<vmem>>, vector<16xi32>,
      %broadcast_in_dim3A_219 = arith.constant true
      %broadcast_in_dim3A_220 = vector.broadcast %broadcast_in_dim3A_219 : i1 to vector<16xi1>
      %masked_cumsum3A_221 = tpu.scan <sum>, %get3A_218 masked %broadcast_in_dim3A_220 : vector<16xi32>, vector<16xi1> -> vector<16xi32>
      %add3A_222 = arith.constant 0 : i32
      %add3A_223 = vector.broadcast %add3A_222 : i32 to vector<16xi32>
      %add3A_224 = arith.addi %masked_cumsum3A_221, %add3A_223 : vector<16xi32>
      %iota3A_225 = tpu.iota {dimensions = array<i32: 0>} : vector<16xi32>
      %add3A_226 = arith.constant 0 : i32
      %add3A_227 = vector.broadcast %add3A_226 : i32 to vector<16xi32>
      %add3A_228 = arith.addi %iota3A_225, %add3A_227 : vector<16xi32>
      %lt3A = vector.broadcast %add3A_197 : i32 to vector<16xi32>
      %lt3A_229 = arith.cmpi slt, %add3A_228, %lt3A : vector<16xi32>
      %min3A = arith.constant 63 : i32
      %min3A_230 = vector.broadcast %min3A : i32 to vector<16xi32>
      %min3A_231 = arith.minsi %add3A_224, %min3A_230 : vector<16xi32>
      %broadcast_in_dim3A_232 = vector.broadcast %max3A_216 : i32 to vector<16xi32>
      %select_n3A_233 = arith.select %lt3A_229, %min3A_231, %broadcast_in_dim3A_232 : vector<16xi1>, vector<16xi32>
      %swap3A_234 = arith.constant 0 : index
      %swap3A_235 = tpu.vector_load %arg16[%swap3A_234] {strides = array<i32>} : memref<96xi32, #tpu.memory_space<vmem>>, vector<16xi32>,
      tpu.vector_store %arg16[%swap3A_234], %select_n3A_233 {strides = array<i32>} : memref<96xi32, #tpu.memory_space<vmem>>, vector<16xi32>,
      %jit3A_236 = arith.constant 1 : i32
      %jit3A_237 = arith.constant 0 : i32
      %broadcast_in_dim3A_238 = vector.broadcast %jit3A_236 : i32 to vector<16xi32>
      %broadcast_in_dim3A_239 = vector.broadcast %jit3A_237 : i32 to vector<16xi32>
      %select_n3A_240 = arith.select %lt3A_229, %broadcast_in_dim3A_238, %broadcast_in_dim3A_239 : vector<16xi1>, vector<16xi32>
      %swap3A_241 = arith.constant 0 : index
      %swap3A_242 = tpu.vector_load %arg17[%swap3A_241] {strides = array<i32>} : memref<96xi32, #tpu.memory_space<vmem>>, vector<16xi32>,
      tpu.vector_store %arg17[%swap3A_241], %select_n3A_240 {strides = array<i32>} : memref<96xi32, #tpu.memory_space<vmem>>, vector<16xi32>,
      %reduce_max3A_243 = arith.constant true
      %reduce_max3A_244 = vector.broadcast %reduce_max3A_243 : i1 to vector<16xi1>
      %reduce_max3A_245 = arith.constant -2147483648 : i32
      %reduce_max3A_246 = vector.broadcast %reduce_max3A_245 : i32 to vector<16xi32>
      %reduce_max3A_247 = arith.xori %add3A_224, %reduce_max3A_246 : vector<16xi32>
      %reduce_max3A_248 = tpu.scan <max>, %reduce_max3A_247 masked %reduce_max3A_244 : vector<16xi32>, vector<16xi1> -> vector<16xi32>
      %reduce_max3A_249 = arith.xori %reduce_max3A_248, %reduce_max3A_246 : vector<16xi32>
      %reduce_max3A_250 = vector.extract %reduce_max3A_249[15] : i32 from vector<16xi32>
      %get3A_251 = arith.constant 16 : index
      %get3A_252 = tpu.vector_load %arg12[%get3A_251] {strides = array<i32>} : memref<112xi32, #tpu.memory_space<vmem>>, vector<16xi32>,
      %broadcast_in_dim3A_253 = arith.constant true
      %broadcast_in_dim3A_254 = vector.broadcast %broadcast_in_dim3A_253 : i1 to vector<16xi1>
      %masked_cumsum3A_255 = tpu.scan <sum>, %get3A_252 masked %broadcast_in_dim3A_254 : vector<16xi32>, vector<16xi1> -> vector<16xi32>
      %add3A_256 = vector.broadcast %reduce_max3A_250 : i32 to vector<16xi32>
      %add3A_257 = arith.addi %masked_cumsum3A_255, %add3A_256 : vector<16xi32>
      %iota3A_258 = tpu.iota {dimensions = array<i32: 0>} : vector<16xi32>
      %add3A_259 = arith.constant 16 : i32
      %add3A_260 = vector.broadcast %add3A_259 : i32 to vector<16xi32>
      %add3A_261 = arith.addi %iota3A_258, %add3A_260 : vector<16xi32>
      %lt3A_262 = vector.broadcast %add3A_197 : i32 to vector<16xi32>
      %lt3A_263 = arith.cmpi slt, %add3A_261, %lt3A_262 : vector<16xi32>
      %min3A_264 = arith.constant 63 : i32
      %min3A_265 = vector.broadcast %min3A_264 : i32 to vector<16xi32>
      %min3A_266 = arith.minsi %add3A_257, %min3A_265 : vector<16xi32>
      %broadcast_in_dim3A_267 = vector.broadcast %max3A_216 : i32 to vector<16xi32>
      %select_n3A_268 = arith.select %lt3A_263, %min3A_266, %broadcast_in_dim3A_267 : vector<16xi1>, vector<16xi32>
      %swap3A_269 = arith.constant 16 : index
      %swap3A_270 = tpu.vector_load %arg16[%swap3A_269] {strides = array<i32>} : memref<96xi32, #tpu.memory_space<vmem>>, vector<16xi32>,
      tpu.vector_store %arg16[%swap3A_269], %select_n3A_268 {strides = array<i32>} : memref<96xi32, #tpu.memory_space<vmem>>, vector<16xi32>,
      %jit3A_271 = arith.constant 1 : i32
      %jit3A_272 = arith.constant 0 : i32
      %broadcast_in_dim3A_273 = vector.broadcast %jit3A_271 : i32 to vector<16xi32>
      %broadcast_in_dim3A_274 = vector.broadcast %jit3A_272 : i32 to vector<16xi32>
      %select_n3A_275 = arith.select %lt3A_263, %broadcast_in_dim3A_273, %broadcast_in_dim3A_274 : vector<16xi1>, vector<16xi32>
      %swap3A_276 = arith.constant 16 : index
      %swap3A_277 = tpu.vector_load %arg17[%swap3A_276] {strides = array<i32>} : memref<96xi32, #tpu.memory_space<vmem>>, vector<16xi32>,
      tpu.vector_store %arg17[%swap3A_276], %select_n3A_275 {strides = array<i32>} : memref<96xi32, #tpu.memory_space<vmem>>, vector<16xi32>,
      %reduce_max3A_278 = arith.constant true
      %reduce_max3A_279 = vector.broadcast %reduce_max3A_278 : i1 to vector<16xi1>
      %reduce_max3A_280 = arith.constant -2147483648 : i32
      %reduce_max3A_281 = vector.broadcast %reduce_max3A_280 : i32 to vector<16xi32>
      %reduce_max3A_282 = arith.xori %add3A_257, %reduce_max3A_281 : vector<16xi32>
      %reduce_max3A_283 = tpu.scan <max>, %reduce_max3A_282 masked %reduce_max3A_279 : vector<16xi32>, vector<16xi1> -> vector<16xi32>
      %reduce_max3A_284 = arith.xori %reduce_max3A_283, %reduce_max3A_281 : vector<16xi32>
      %reduce_max3A_285 = vector.extract %reduce_max3A_284[15] : i32 from vector<16xi32>
      %get3A_286 = arith.constant 32 : index
      %get3A_287 = tpu.vector_load %arg12[%get3A_286] {strides = array<i32>} : memref<112xi32, #tpu.memory_space<vmem>>, vector<16xi32>,
      %broadcast_in_dim3A_288 = arith.constant true
      %broadcast_in_dim3A_289 = vector.broadcast %broadcast_in_dim3A_288 : i1 to vector<16xi1>
      %masked_cumsum3A_290 = tpu.scan <sum>, %get3A_287 masked %broadcast_in_dim3A_289 : vector<16xi32>, vector<16xi1> -> vector<16xi32>
      %add3A_291 = vector.broadcast %reduce_max3A_285 : i32 to vector<16xi32>
      %add3A_292 = arith.addi %masked_cumsum3A_290, %add3A_291 : vector<16xi32>
      %iota3A_293 = tpu.iota {dimensions = array<i32: 0>} : vector<16xi32>
      %add3A_294 = arith.constant 32 : i32
      %add3A_295 = vector.broadcast %add3A_294 : i32 to vector<16xi32>
      %add3A_296 = arith.addi %iota3A_293, %add3A_295 : vector<16xi32>
      %lt3A_297 = vector.broadcast %add3A_197 : i32 to vector<16xi32>
      %lt3A_298 = arith.cmpi slt, %add3A_296, %lt3A_297 : vector<16xi32>
      %min3A_299 = arith.constant 63 : i32
      %min3A_300 = vector.broadcast %min3A_299 : i32 to vector<16xi32>
      %min3A_301 = arith.minsi %add3A_292, %min3A_300 : vector<16xi32>
      %broadcast_in_dim3A_302 = vector.broadcast %max3A_216 : i32 to vector<16xi32>
      %select_n3A_303 = arith.select %lt3A_298, %min3A_301, %broadcast_in_dim3A_302 : vector<16xi1>, vector<16xi32>
      %swap3A_304 = arith.constant 32 : index
      %swap3A_305 = tpu.vector_load %arg16[%swap3A_304] {strides = array<i32>} : memref<96xi32, #tpu.memory_space<vmem>>, vector<16xi32>,
      tpu.vector_store %arg16[%swap3A_304], %select_n3A_303 {strides = array<i32>} : memref<96xi32, #tpu.memory_space<vmem>>, vector<16xi32>,
      %jit3A_306 = arith.constant 1 : i32
      %jit3A_307 = arith.constant 0 : i32
      %broadcast_in_dim3A_308 = vector.broadcast %jit3A_306 : i32 to vector<16xi32>
      %broadcast_in_dim3A_309 = vector.broadcast %jit3A_307 : i32 to vector<16xi32>
      %select_n3A_310 = arith.select %lt3A_298, %broadcast_in_dim3A_308, %broadcast_in_dim3A_309 : vector<16xi1>, vector<16xi32>
      %swap3A_311 = arith.constant 32 : index
      %swap3A_312 = tpu.vector_load %arg17[%swap3A_311] {strides = array<i32>} : memref<96xi32, #tpu.memory_space<vmem>>, vector<16xi32>,
      tpu.vector_store %arg17[%swap3A_311], %select_n3A_310 {strides = array<i32>} : memref<96xi32, #tpu.memory_space<vmem>>, vector<16xi32>,
      %reduce_max3A_313 = arith.constant true
      %reduce_max3A_314 = vector.broadcast %reduce_max3A_313 : i1 to vector<16xi1>
      %reduce_max3A_315 = arith.constant -2147483648 : i32
      %reduce_max3A_316 = vector.broadcast %reduce_max3A_315 : i32 to vector<16xi32>
      %reduce_max3A_317 = arith.xori %add3A_292, %reduce_max3A_316 : vector<16xi32>
      %reduce_max3A_318 = tpu.scan <max>, %reduce_max3A_317 masked %reduce_max3A_314 : vector<16xi32>, vector<16xi1> -> vector<16xi32>
      %reduce_max3A_319 = arith.xori %reduce_max3A_318, %reduce_max3A_316 : vector<16xi32>
      %reduce_max3A_320 = vector.extract %reduce_max3A_319[15] : i32 from vector<16xi32>
      %get3A_321 = arith.constant 48 : index
      %get3A_322 = tpu.vector_load %arg12[%get3A_321] {strides = array<i32>} : memref<112xi32, #tpu.memory_space<vmem>>, vector<16xi32>,
      %broadcast_in_dim3A_323 = arith.constant true
      %broadcast_in_dim3A_324 = vector.broadcast %broadcast_in_dim3A_323 : i1 to vector<16xi1>
      %masked_cumsum3A_325 = tpu.scan <sum>, %get3A_322 masked %broadcast_in_dim3A_324 : vector<16xi32>, vector<16xi1> -> vector<16xi32>
      %add3A_326 = vector.broadcast %reduce_max3A_320 : i32 to vector<16xi32>
      %add3A_327 = arith.addi %masked_cumsum3A_325, %add3A_326 : vector<16xi32>
      %iota3A_328 = tpu.iota {dimensions = array<i32: 0>} : vector<16xi32>
      %add3A_329 = arith.constant 48 : i32
      %add3A_330 = vector.broadcast %add3A_329 : i32 to vector<16xi32>
      %add3A_331 = arith.addi %iota3A_328, %add3A_330 : vector<16xi32>
      %lt3A_332 = vector.broadcast %add3A_197 : i32 to vector<16xi32>
      %lt3A_333 = arith.cmpi slt, %add3A_331, %lt3A_332 : vector<16xi32>
      %min3A_334 = arith.constant 63 : i32
      %min3A_335 = vector.broadcast %min3A_334 : i32 to vector<16xi32>
      %min3A_336 = arith.minsi %add3A_327, %min3A_335 : vector<16xi32>
      %broadcast_in_dim3A_337 = vector.broadcast %max3A_216 : i32 to vector<16xi32>
      %select_n3A_338 = arith.select %lt3A_333, %min3A_336, %broadcast_in_dim3A_337 : vector<16xi1>, vector<16xi32>
      %swap3A_339 = arith.constant 48 : index
      %swap3A_340 = tpu.vector_load %arg16[%swap3A_339] {strides = array<i32>} : memref<96xi32, #tpu.memory_space<vmem>>, vector<16xi32>,
      tpu.vector_store %arg16[%swap3A_339], %select_n3A_338 {strides = array<i32>} : memref<96xi32, #tpu.memory_space<vmem>>, vector<16xi32>,
      %jit3A_341 = arith.constant 1 : i32
      %jit3A_342 = arith.constant 0 : i32
      %broadcast_in_dim3A_343 = vector.broadcast %jit3A_341 : i32 to vector<16xi32>
      %broadcast_in_dim3A_344 = vector.broadcast %jit3A_342 : i32 to vector<16xi32>
      %select_n3A_345 = arith.select %lt3A_333, %broadcast_in_dim3A_343, %broadcast_in_dim3A_344 : vector<16xi1>, vector<16xi32>
      %swap3A_346 = arith.constant 48 : index
      %swap3A_347 = tpu.vector_load %arg17[%swap3A_346] {strides = array<i32>} : memref<96xi32, #tpu.memory_space<vmem>>, vector<16xi32>,
      tpu.vector_store %arg17[%swap3A_346], %select_n3A_345 {strides = array<i32>} : memref<96xi32, #tpu.memory_space<vmem>>, vector<16xi32>,
      %reduce_max3A_348 = arith.constant true
      %reduce_max3A_349 = vector.broadcast %reduce_max3A_348 : i1 to vector<16xi1>
      %reduce_max3A_350 = arith.constant -2147483648 : i32
      %reduce_max3A_351 = vector.broadcast %reduce_max3A_350 : i32 to vector<16xi32>
      %reduce_max3A_352 = arith.xori %add3A_327, %reduce_max3A_351 : vector<16xi32>
      %reduce_max3A_353 = tpu.scan <max>, %reduce_max3A_352 masked %reduce_max3A_349 : vector<16xi32>, vector<16xi1> -> vector<16xi32>
      %reduce_max3A_354 = arith.xori %reduce_max3A_353, %reduce_max3A_351 : vector<16xi32>
      %reduce_max3A_355 = vector.extract %reduce_max3A_354[15] : i32 from vector<16xi32>
      %get3A_356 = arith.constant 64 : index
      %get3A_357 = tpu.vector_load %arg12[%get3A_356] {strides = array<i32>} : memref<112xi32, #tpu.memory_space<vmem>>, vector<16xi32>,
      %broadcast_in_dim3A_358 = arith.constant true
      %broadcast_in_dim3A_359 = vector.broadcast %broadcast_in_dim3A_358 : i1 to vector<16xi1>
      %masked_cumsum3A_360 = tpu.scan <sum>, %get3A_357 masked %broadcast_in_dim3A_359 : vector<16xi32>, vector<16xi1> -> vector<16xi32>
      %add3A_361 = vector.broadcast %reduce_max3A_355 : i32 to vector<16xi32>
      %add3A_362 = arith.addi %masked_cumsum3A_360, %add3A_361 : vector<16xi32>
      %iota3A_363 = tpu.iota {dimensions = array<i32: 0>} : vector<16xi32>
      %add3A_364 = arith.constant 64 : i32
      %add3A_365 = vector.broadcast %add3A_364 : i32 to vector<16xi32>
      %add3A_366 = arith.addi %iota3A_363, %add3A_365 : vector<16xi32>
      %lt3A_367 = vector.broadcast %add3A_197 : i32 to vector<16xi32>
      %lt3A_368 = arith.cmpi slt, %add3A_366, %lt3A_367 : vector<16xi32>
      %min3A_369 = arith.constant 63 : i32
      %min3A_370 = vector.broadcast %min3A_369 : i32 to vector<16xi32>
      %min3A_371 = arith.minsi %add3A_362, %min3A_370 : vector<16xi32>
      %broadcast_in_dim3A_372 = vector.broadcast %max3A_216 : i32 to vector<16xi32>
      %select_n3A_373 = arith.select %lt3A_368, %min3A_371, %broadcast_in_dim3A_372 : vector<16xi1>, vector<16xi32>
      %swap3A_374 = arith.constant 64 : index
      %swap3A_375 = tpu.vector_load %arg16[%swap3A_374] {strides = array<i32>} : memref<96xi32, #tpu.memory_space<vmem>>, vector<16xi32>,
      tpu.vector_store %arg16[%swap3A_374], %select_n3A_373 {strides = array<i32>} : memref<96xi32, #tpu.memory_space<vmem>>, vector<16xi32>,
      %jit3A_376 = arith.constant 1 : i32
      %jit3A_377 = arith.constant 0 : i32
      %broadcast_in_dim3A_378 = vector.broadcast %jit3A_376 : i32 to vector<16xi32>
      %broadcast_in_dim3A_379 = vector.broadcast %jit3A_377 : i32 to vector<16xi32>
      %select_n3A_380 = arith.select %lt3A_368, %broadcast_in_dim3A_378, %broadcast_in_dim3A_379 : vector<16xi1>, vector<16xi32>
      %swap3A_381 = arith.constant 64 : index
      %swap3A_382 = tpu.vector_load %arg17[%swap3A_381] {strides = array<i32>} : memref<96xi32, #tpu.memory_space<vmem>>, vector<16xi32>,
      tpu.vector_store %arg17[%swap3A_381], %select_n3A_380 {strides = array<i32>} : memref<96xi32, #tpu.memory_space<vmem>>, vector<16xi32>,
      %reduce_max3A_383 = arith.constant true
      %reduce_max3A_384 = vector.broadcast %reduce_max3A_383 : i1 to vector<16xi1>
      %reduce_max3A_385 = arith.constant -2147483648 : i32
      %reduce_max3A_386 = vector.broadcast %reduce_max3A_385 : i32 to vector<16xi32>
      %reduce_max3A_387 = arith.xori %add3A_362, %reduce_max3A_386 : vector<16xi32>
      %reduce_max3A_388 = tpu.scan <max>, %reduce_max3A_387 masked %reduce_max3A_384 : vector<16xi32>, vector<16xi1> -> vector<16xi32>
      %reduce_max3A_389 = arith.xori %reduce_max3A_388, %reduce_max3A_386 : vector<16xi32>
      %reduce_max3A_390 = vector.extract %reduce_max3A_389[15] : i32 from vector<16xi32>
      %get3A_391 = arith.constant 80 : index
      %get3A_392 = tpu.vector_load %arg12[%get3A_391] {strides = array<i32>} : memref<112xi32, #tpu.memory_space<vmem>>, vector<16xi32>,
      %broadcast_in_dim3A_393 = arith.constant true
      %broadcast_in_dim3A_394 = vector.broadcast %broadcast_in_dim3A_393 : i1 to vector<16xi1>
      %masked_cumsum3A_395 = tpu.scan <sum>, %get3A_392 masked %broadcast_in_dim3A_394 : vector<16xi32>, vector<16xi1> -> vector<16xi32>
      %add3A_396 = vector.broadcast %reduce_max3A_390 : i32 to vector<16xi32>
      %add3A_397 = arith.addi %masked_cumsum3A_395, %add3A_396 : vector<16xi32>
      %iota3A_398 = tpu.iota {dimensions = array<i32: 0>} : vector<16xi32>
      %add3A_399 = arith.constant 80 : i32
      %add3A_400 = vector.broadcast %add3A_399 : i32 to vector<16xi32>
      %add3A_401 = arith.addi %iota3A_398, %add3A_400 : vector<16xi32>
      %lt3A_402 = vector.broadcast %add3A_197 : i32 to vector<16xi32>
      %lt3A_403 = arith.cmpi slt, %add3A_401, %lt3A_402 : vector<16xi32>
      %min3A_404 = arith.constant 63 : i32
      %min3A_405 = vector.broadcast %min3A_404 : i32 to vector<16xi32>
      %min3A_406 = arith.minsi %add3A_397, %min3A_405 : vector<16xi32>
      %broadcast_in_dim3A_407 = vector.broadcast %max3A_216 : i32 to vector<16xi32>
      %select_n3A_408 = arith.select %lt3A_403, %min3A_406, %broadcast_in_dim3A_407 : vector<16xi1>, vector<16xi32>
      %swap3A_409 = arith.constant 80 : index
      %swap3A_410 = tpu.vector_load %arg16[%swap3A_409] {strides = array<i32>} : memref<96xi32, #tpu.memory_space<vmem>>, vector<16xi32>,
      tpu.vector_store %arg16[%swap3A_409], %select_n3A_408 {strides = array<i32>} : memref<96xi32, #tpu.memory_space<vmem>>, vector<16xi32>,
      %jit3A_411 = arith.constant 1 : i32
      %jit3A_412 = arith.constant 0 : i32
      %broadcast_in_dim3A_413 = vector.broadcast %jit3A_411 : i32 to vector<16xi32>
      %broadcast_in_dim3A_414 = vector.broadcast %jit3A_412 : i32 to vector<16xi32>
      %select_n3A_415 = arith.select %lt3A_403, %broadcast_in_dim3A_413, %broadcast_in_dim3A_414 : vector<16xi1>, vector<16xi32>
      %swap3A_416 = arith.constant 80 : index
      %swap3A_417 = tpu.vector_load %arg17[%swap3A_416] {strides = array<i32>} : memref<96xi32, #tpu.memory_space<vmem>>, vector<16xi32>,
      tpu.vector_store %arg17[%swap3A_416], %select_n3A_415 {strides = array<i32>} : memref<96xi32, #tpu.memory_space<vmem>>, vector<16xi32>,
      %reduce_max3A_418 = arith.constant true
      %reduce_max3A_419 = vector.broadcast %reduce_max3A_418 : i1 to vector<16xi1>
      %reduce_max3A_420 = arith.constant -2147483648 : i32
      %reduce_max3A_421 = vector.broadcast %reduce_max3A_420 : i32 to vector<16xi32>
      %reduce_max3A_422 = arith.xori %add3A_397, %reduce_max3A_421 : vector<16xi32>
      %reduce_max3A_423 = tpu.scan <max>, %reduce_max3A_422 masked %reduce_max3A_419 : vector<16xi32>, vector<16xi1> -> vector<16xi32>
      %reduce_max3A_424 = arith.xori %reduce_max3A_423, %reduce_max3A_421 : vector<16xi32>
      %reduce_max3A_425 = vector.extract %reduce_max3A_424[15] : i32 from vector<16xi32>
      %broadcast_in_dim3A_426 = arith.constant 0.000000e+00 : f32
      %broadcast_in_dim3A_427 = vector.broadcast %broadcast_in_dim3A_426 : f32 to vector<16xf32>
      %scan3A_428 = arith.constant 0 : i32
      %scan3A_429 = arith.constant 0 : i32
      %scan3A_430 = arith.constant 192 : i32
      %scan3A_431 = arith.addi %scan3A_429, %scan3A_430 : i32
      %scan3A_432 = arith.constant 1 : i32
      scf.for %scan3A_440 = %scan3A_429 to %scan3A_431 step %scan3A_432  : i32 {
        %mul3A_441 = arith.constant 64 : i32
        %mul3A_442 = arith.muli %scan3A_440, %mul3A_441 : i32
        %add3A_443 = arith.constant 0 : i32
        %add3A_444 = arith.addi %mul3A_442, %add3A_443 : i32
        %swap3A_445 = arith.index_cast %add3A_444 : i32 to index
        %swap3A_446 = tpu.vector_load %arg15[%swap3A_445] {strides = array<i32>} : memref<12288xf32, #tpu.memory_space<vmem>>, vector<16xf32>,
        tpu.vector_store %arg15[%swap3A_445], %broadcast_in_dim3A_427 {strides = array<i32>} : memref<12288xf32, #tpu.memory_space<vmem>>, vector<16xf32>,
        %mul3A_447 = arith.constant 64 : i32
        %mul3A_448 = arith.muli %scan3A_440, %mul3A_447 : i32
        %add3A_449 = arith.constant 16 : i32
        %add3A_450 = arith.addi %mul3A_448, %add3A_449 : i32
        %swap3A_451 = arith.index_cast %add3A_450 : i32 to index
        %swap3A_452 = tpu.vector_load %arg15[%swap3A_451] {strides = array<i32>} : memref<12288xf32, #tpu.memory_space<vmem>>, vector<16xf32>,
        tpu.vector_store %arg15[%swap3A_451], %broadcast_in_dim3A_427 {strides = array<i32>} : memref<12288xf32, #tpu.memory_space<vmem>>, vector<16xf32>,
        %mul3A_453 = arith.constant 64 : i32
        %mul3A_454 = arith.muli %scan3A_440, %mul3A_453 : i32
        %add3A_455 = arith.constant 32 : i32
        %add3A_456 = arith.addi %mul3A_454, %add3A_455 : i32
        %swap3A_457 = arith.index_cast %add3A_456 : i32 to index
        %swap3A_458 = tpu.vector_load %arg15[%swap3A_457] {strides = array<i32>} : memref<12288xf32, #tpu.memory_space<vmem>>, vector<16xf32>,
        tpu.vector_store %arg15[%swap3A_457], %broadcast_in_dim3A_427 {strides = array<i32>} : memref<12288xf32, #tpu.memory_space<vmem>>, vector<16xf32>,
        %mul3A_459 = arith.constant 64 : i32
        %mul3A_460 = arith.muli %scan3A_440, %mul3A_459 : i32
        %add3A_461 = arith.constant 48 : i32
        %add3A_462 = arith.addi %mul3A_460, %add3A_461 : i32
        %swap3A_463 = arith.index_cast %add3A_462 : i32 to index
        %swap3A_464 = tpu.vector_load %arg15[%swap3A_463] {strides = array<i32>} : memref<12288xf32, #tpu.memory_space<vmem>>, vector<16xf32>,
        tpu.vector_store %arg15[%swap3A_463], %broadcast_in_dim3A_427 {strides = array<i32>} : memref<12288xf32, #tpu.memory_space<vmem>>, vector<16xf32>,
      }
      %scan3A_433 = arith.constant 192 : i32
      %scan3A_434 = arith.constant 0 : i32
      %scan3A_435 = arith.constant 0 : i32
      %scan3A_436 = arith.constant 128 : i32
      %scan3A_437 = arith.addi %scan3A_435, %scan3A_436 : i32
      %scan3A_438 = arith.constant 1 : i32
      scf.for %scan3A_440 = %scan3A_435 to %scan3A_437 step %scan3A_438  : i32 {
        %mul3A_441 = arith.constant 32 : i32
        %mul3A_442 = arith.muli %scan3A_440, %mul3A_441 : i32
        %add3A_443 = arith.constant 0 : i32
        %add3A_444 = arith.addi %mul3A_442, %add3A_443 : i32
        %get3A_445 = arith.index_cast %add3A_444 : i32 to index
        %get3A_446 = tpu.vector_load %arg8[%get3A_445] {strides = array<i32>} : memref<4096xi32, #tpu.memory_space<vmem>>, vector<16xi32>,
        %gather3A = tpu.vector_load_idx %arg11[%get3A_446] : memref<64xi32, #tpu.memory_space<vmem>>[vector<16xi32>], vector<16xi32>,
        %get3A_447 = arith.index_cast %add3A_444 : i32 to index
        %get3A_448 = tpu.vector_load %arg9[%get3A_447] {strides = array<i32>} : memref<4096xi32, #tpu.memory_space<vmem>>, vector<16xi32>,
        %add3A_449 = arith.addi %gather3A, %get3A_448 : vector<16xi32>
        %iota3A_450 = tpu.iota {dimensions = array<i32: 0>} : vector<16xi32>
        %add3A_451 = vector.broadcast %add3A_444 : i32 to vector<16xi32>
        %add3A_452 = arith.addi %iota3A_450, %add3A_451 : vector<16xi32>
        %shift_right_arithmetic3A_453 = arith.constant 1 : i32
        %shift_right_arithmetic3A_454 = vector.broadcast %shift_right_arithmetic3A_453 : i32 to vector<16xi32>
        %shift_right_arithmetic3A_455 = arith.shrsi %add3A_452, %shift_right_arithmetic3A_454 : vector<16xi32>
        tpu.vector_store_idx %arg13[%add3A_449], %shift_right_arithmetic3A_455 : memref<12288xi32, #tpu.memory_space<vmem>>[vector<16xi32>], vector<16xi32>,
        %get3A_456 = arith.index_cast %add3A_444 : i32 to index
        %get3A_457 = tpu.vector_load %arg14[%get3A_456] {strides = array<i32>} : memref<4096xf32, #tpu.memory_space<vmem>>, vector<16xf32>,
        tpu.vector_store_idx %arg15[%add3A_449], %get3A_457 : memref<12288xf32, #tpu.memory_space<vmem>>[vector<16xi32>], vector<16xf32>,
        %mul3A_458 = arith.constant 32 : i32
        %mul3A_459 = arith.muli %scan3A_440, %mul3A_458 : i32
        %add3A_460 = arith.constant 16 : i32
        %add3A_461 = arith.addi %mul3A_459, %add3A_460 : i32
        %get3A_462 = arith.index_cast %add3A_461 : i32 to index
        %get3A_463 = tpu.vector_load %arg8[%get3A_462] {strides = array<i32>} : memref<4096xi32, #tpu.memory_space<vmem>>, vector<16xi32>,
        %gather3A_464 = tpu.vector_load_idx %arg11[%get3A_463] : memref<64xi32, #tpu.memory_space<vmem>>[vector<16xi32>], vector<16xi32>,
        %get3A_465 = arith.index_cast %add3A_461 : i32 to index
        %get3A_466 = tpu.vector_load %arg9[%get3A_465] {strides = array<i32>} : memref<4096xi32, #tpu.memory_space<vmem>>, vector<16xi32>,
        %add3A_467 = arith.addi %gather3A_464, %get3A_466 : vector<16xi32>
        %iota3A_468 = tpu.iota {dimensions = array<i32: 0>} : vector<16xi32>
        %add3A_469 = vector.broadcast %add3A_461 : i32 to vector<16xi32>
        %add3A_470 = arith.addi %iota3A_468, %add3A_469 : vector<16xi32>
        %shift_right_arithmetic3A_471 = arith.constant 1 : i32
        %shift_right_arithmetic3A_472 = vector.broadcast %shift_right_arithmetic3A_471 : i32 to vector<16xi32>
        %shift_right_arithmetic3A_473 = arith.shrsi %add3A_470, %shift_right_arithmetic3A_472 : vector<16xi32>
        tpu.vector_store_idx %arg13[%add3A_467], %shift_right_arithmetic3A_473 : memref<12288xi32, #tpu.memory_space<vmem>>[vector<16xi32>], vector<16xi32>,
        %get3A_474 = arith.index_cast %add3A_461 : i32 to index
        %get3A_475 = tpu.vector_load %arg14[%get3A_474] {strides = array<i32>} : memref<4096xf32, #tpu.memory_space<vmem>>, vector<16xf32>,
        tpu.vector_store_idx %arg15[%add3A_467], %get3A_475 : memref<12288xf32, #tpu.memory_space<vmem>>[vector<16xi32>], vector<16xf32>,
      }
      %scan3A_439 = arith.constant 128 : i32
      "tpu.region"() ({
        %run_scoped3A = tpu.sem_alloc : memref<!tpu.dma_semaphore, #tpu.memory_space<semaphore_mem>>
        tpu.enqueue_dma source(%arg13 : memref<12288xi32, #tpu.memory_space<vmem>>) target(%arg4 : memref<12288xi32, #tpu.memory_space<hbm>>) target_semaphore(%run_scoped3A : memref<!tpu.dma_semaphore, #tpu.memory_space<semaphore_mem>>)
        tpu.wait_dma2 semaphore(%run_scoped3A : memref<!tpu.dma_semaphore, #tpu.memory_space<semaphore_mem>>) src(%arg13 : memref<12288xi32, #tpu.memory_space<vmem>>) dst(%arg4 : memref<12288xi32, #tpu.memory_space<hbm>>)
        tpu.yield
      }) : () -> ()
      "tpu.region"() ({
        %run_scoped3A = tpu.sem_alloc : memref<!tpu.dma_semaphore, #tpu.memory_space<semaphore_mem>>
        tpu.enqueue_dma source(%arg15 : memref<12288xf32, #tpu.memory_space<vmem>>) target(%arg5 : memref<12288xf32, #tpu.memory_space<hbm>>) target_semaphore(%run_scoped3A : memref<!tpu.dma_semaphore, #tpu.memory_space<semaphore_mem>>)
        tpu.wait_dma2 semaphore(%run_scoped3A : memref<!tpu.dma_semaphore, #tpu.memory_space<semaphore_mem>>) src(%arg15 : memref<12288xf32, #tpu.memory_space<vmem>>) dst(%arg5 : memref<12288xf32, #tpu.memory_space<hbm>>)
        tpu.yield
      }) : () -> ()
      "tpu.region"() ({
        %run_scoped3A = tpu.sem_alloc : memref<!tpu.dma_semaphore, #tpu.memory_space<semaphore_mem>>
        tpu.enqueue_dma source(%arg16 : memref<96xi32, #tpu.memory_space<vmem>>) target(%arg6 : memref<96xi32, #tpu.memory_space<hbm>>) target_semaphore(%run_scoped3A : memref<!tpu.dma_semaphore, #tpu.memory_space<semaphore_mem>>)
        tpu.wait_dma2 semaphore(%run_scoped3A : memref<!tpu.dma_semaphore, #tpu.memory_space<semaphore_mem>>) src(%arg16 : memref<96xi32, #tpu.memory_space<vmem>>) dst(%arg6 : memref<96xi32, #tpu.memory_space<hbm>>)
        tpu.yield
      }) : () -> ()
      "tpu.region"() ({
        %run_scoped3A = tpu.sem_alloc : memref<!tpu.dma_semaphore, #tpu.memory_space<semaphore_mem>>
        tpu.enqueue_dma source(%arg17 : memref<96xi32, #tpu.memory_space<vmem>>) target(%arg7 : memref<96xi32, #tpu.memory_space<hbm>>) target_semaphore(%run_scoped3A : memref<!tpu.dma_semaphore, #tpu.memory_space<semaphore_mem>>)
        tpu.wait_dma2 semaphore(%run_scoped3A : memref<!tpu.dma_semaphore, #tpu.memory_space<semaphore_mem>>) src(%arg17 : memref<96xi32, #tpu.memory_space<vmem>>) dst(%arg7 : memref<96xi32, #tpu.memory_space<hbm>>)
        tpu.yield
      }) : () -> ()
    } else {
    }
    return
  }
}

module attributes {stable_mosaic.version = 14 : i64} {
  func.func @_router_body(%arg0: memref<2048x768xf32, #tpu.memory_space<vmem>>, %arg1: memref<768x64xf32, #tpu.memory_space<vmem>>, %arg2: memref<2048x2xi32, #tpu.memory_space<vmem>>, %arg3: memref<2048x2xf32, #tpu.memory_space<vmem>>) attributes {dimension_semantics = [], scalar_prefetch = 0 : i64, scratch_operands = 0 : i64, tpu.core_type = #tpu.core_type<tc>} {
    %get3A = arith.constant 0 : index
    %get3A_0 = arith.constant 0 : index
    %get3A_1 = vector.load %arg0[%get3A, %get3A_0] : memref<2048x768xf32, #tpu.memory_space<vmem>>, vector<2048x768xf32>
    %get3A_2 = arith.constant 0 : index
    %get3A_3 = arith.constant 0 : index
    %get3A_4 = vector.load %arg1[%get3A_2, %get3A_3] : memref<768x64xf32, #tpu.memory_space<vmem>>, vector<768x64xf32>
    %dot_general3A = arith.constant dense<0.000000e+00> : vector<2048x64xf32>
    %dot_general3A_5 = tpu.matmul %get3A_1, %get3A_4, %dot_general3A {dimension_numbers = #tpu.dot_dimension_numbers<[1], [0], [0], [1], [0, 0, 1, 1], [], []>, transpose_lhs_hint = false} : vector<2048x768xf32>, vector<768x64xf32>, vector<2048x64xf32> -> vector<2048x64xf32>
    %iota3A = tpu.iota {dimensions = array<i32: 1>} : vector<2048x64xi32>
    %reduce_max3A = arith.constant dense<0xFF800000> : vector<2048xf32>
    %reduce_max3A_6 = vector.multi_reduction <maximumf>, %dot_general3A_5, %reduce_max3A [1] : vector<2048x64xf32> to vector<2048xf32>
    %broadcast_in_dim3A = vector.shape_cast %reduce_max3A_6 : vector<2048xf32> to vector<2048x1xf32>
    %ge3A = vector.broadcast %broadcast_in_dim3A : vector<2048x1xf32> to vector<2048x64xf32>
    %ge3A_7 = arith.cmpf oge, %dot_general3A_5, %ge3A : vector<2048x64xf32>
    %jit3A = arith.constant 64 : i32
    %broadcast_in_dim3A_8 = vector.broadcast %jit3A : i32 to vector<2048x64xi32>
    %select_n3A = arith.select %ge3A_7, %iota3A, %broadcast_in_dim3A_8 : vector<2048x64xi1>, vector<2048x64xi32>
    %reduce_min3A = arith.constant dense<2147483647> : vector<2048xi32>
    %reduce_min3A_9 = vector.multi_reduction <minsi>, %select_n3A, %reduce_min3A [1] : vector<2048x64xi32> to vector<2048xi32>
    %broadcast_in_dim3A_10 = vector.shape_cast %reduce_min3A_9 : vector<2048xi32> to vector<2048x1xi32>
    %eq3A = vector.broadcast %broadcast_in_dim3A_10 : vector<2048x1xi32> to vector<2048x64xi32>
    %eq3A_11 = arith.cmpi eq, %iota3A, %eq3A : vector<2048x64xi32>
    %jit3A_12 = arith.constant -1.000000e+30 : f32
    %broadcast_in_dim3A_13 = vector.broadcast %jit3A_12 : f32 to vector<2048x64xf32>
    %select_n3A_14 = arith.select %eq3A_11, %broadcast_in_dim3A_13, %dot_general3A_5 : vector<2048x64xi1>, vector<2048x64xf32>
    %reduce_max3A_15 = arith.constant dense<0xFF800000> : vector<2048xf32>
    %reduce_max3A_16 = vector.multi_reduction <maximumf>, %select_n3A_14, %reduce_max3A_15 [1] : vector<2048x64xf32> to vector<2048xf32>
    %broadcast_in_dim3A_17 = vector.shape_cast %reduce_max3A_16 : vector<2048xf32> to vector<2048x1xf32>
    %ge3A_18 = vector.broadcast %broadcast_in_dim3A_17 : vector<2048x1xf32> to vector<2048x64xf32>
    %ge3A_19 = arith.cmpf oge, %select_n3A_14, %ge3A_18 : vector<2048x64xf32>
    %ne3A = vector.broadcast %broadcast_in_dim3A_10 : vector<2048x1xi32> to vector<2048x64xi32>
    %ne3A_20 = arith.cmpi ne, %iota3A, %ne3A : vector<2048x64xi32>
    %and3A = arith.andi %ge3A_19, %ne3A_20 : vector<2048x64xi1>
    %jit3A_21 = arith.constant 64 : i32
    %broadcast_in_dim3A_22 = vector.broadcast %jit3A_21 : i32 to vector<2048x64xi32>
    %select_n3A_23 = arith.select %and3A, %iota3A, %broadcast_in_dim3A_22 : vector<2048x64xi1>, vector<2048x64xi32>
    %reduce_min3A_24 = arith.constant dense<2147483647> : vector<2048xi32>
    %reduce_min3A_25 = vector.multi_reduction <minsi>, %select_n3A_23, %reduce_min3A_24 [1] : vector<2048x64xi32> to vector<2048xi32>
    %broadcast_in_dim3A_26 = vector.shape_cast %reduce_min3A_25 : vector<2048xi32> to vector<2048x1xi32>
    %sub3A = arith.subf %broadcast_in_dim3A_17, %broadcast_in_dim3A : vector<2048x1xf32>
    %exp3A = math.exp %sub3A : vector<2048x1xf32>
    %add3A = arith.constant 1.000000e+00 : f32
    %add3A_27 = vector.broadcast %add3A : f32 to vector<2048x1xf32>
    %add3A_28 = arith.addf %add3A_27, %exp3A : vector<2048x1xf32>
    %div3A = arith.constant 1.000000e+00 : f32
    %div3A_29 = vector.broadcast %div3A : f32 to vector<2048x1xf32>
    %div3A_30 = arith.divf %div3A_29, %add3A_28 : vector<2048x1xf32>
    %concatenate3A = tpu.concatenate %broadcast_in_dim3A_10, %broadcast_in_dim3A_26 in 1 : vector<2048x1xi32>, vector<2048x1xi32> -> vector<2048x2xi32>
    %swap3A = arith.constant 0 : index
    %swap3A_31 = arith.constant 0 : index
    %swap3A_32 = vector.load %arg2[%swap3A, %swap3A_31] : memref<2048x2xi32, #tpu.memory_space<vmem>>, vector<2048x2xi32>
    tpu.vector_store %arg2[%swap3A, %swap3A_31], %concatenate3A {strides = array<i32>} : memref<2048x2xi32, #tpu.memory_space<vmem>>, vector<2048x2xi32>,
    %sub3A_33 = arith.constant 1.000000e+00 : f32
    %sub3A_34 = vector.broadcast %sub3A_33 : f32 to vector<2048x1xf32>
    %sub3A_35 = arith.subf %sub3A_34, %div3A_30 : vector<2048x1xf32>
    %concatenate3A_36 = tpu.concatenate %div3A_30, %sub3A_35 in 1 : vector<2048x1xf32>, vector<2048x1xf32> -> vector<2048x2xf32>
    %swap3A_37 = arith.constant 0 : index
    %swap3A_38 = arith.constant 0 : index
    %swap3A_39 = vector.load %arg3[%swap3A_37, %swap3A_38] : memref<2048x2xf32, #tpu.memory_space<vmem>>, vector<2048x2xf32>
    tpu.vector_store %arg3[%swap3A_37, %swap3A_38], %concatenate3A_36 {strides = array<i32>} : memref<2048x2xf32, #tpu.memory_space<vmem>>, vector<2048x2xf32>,
    return
  }
}

module attributes {stable_mosaic.version = 14 : i64} {
  func.func @_ffn_body(%arg0: i32, %arg1: memref<96xi32, #tpu.memory_space<smem>>, %arg2: memref<96xi32, #tpu.memory_space<smem>>, %arg3: memref<12288x1xi32, #tpu.memory_space<vmem>>, %arg4: memref<96x1x128xi32, #tpu.memory_space<vmem>>, %arg5: memref<12288x1xf32, #tpu.memory_space<vmem>>, %arg6: memref<2048x768xbf16, #tpu.memory_space<vmem>>, %arg7: memref<1x768x1024xf32, #tpu.memory_space<vmem>>, %arg8: memref<1x768x1024xf32, #tpu.memory_space<vmem>>, %arg9: memref<1x1024x768xf32, #tpu.memory_space<vmem>>, %arg10: memref<2048x768xf32, #tpu.memory_space<vmem>>) attributes {dimension_semantics = [#tpu.dimension_semantics<arbitrary>], iteration_bounds = array<i64: 96>, scalar_prefetch = 2 : i64, scratch_operands = 0 : i64, tpu.core_type = #tpu.core_type<tc>, window_params = [{pipeline_mode = #tpu.pipeline_mode<synchronous>, transform_indices = @transform_0, window_bounds = array<i64: 12288, 1>}, {pipeline_mode = #tpu.pipeline_mode<synchronous>, transform_indices = @transform_1, window_bounds = array<i64: 96, 1, 128>}, {pipeline_mode = #tpu.pipeline_mode<synchronous>, transform_indices = @transform_2, window_bounds = array<i64: 12288, 1>}, {pipeline_mode = #tpu.pipeline_mode<synchronous>, transform_indices = @transform_3, window_bounds = array<i64: 2048, 768>}, {transform_indices = @transform_4, window_bounds = array<i64: 1, 768, 1024>}, {transform_indices = @transform_5, window_bounds = array<i64: 1, 768, 1024>}, {transform_indices = @transform_6, window_bounds = array<i64: 1, 1024, 768>}, {pipeline_mode = #tpu.pipeline_mode<synchronous>, transform_indices = @transform_7, window_bounds = array<i64: 2048, 768>}]} {
    %eq3A = arith.constant 0 : i32
    %eq3A_0 = arith.cmpi eq, %arg0, %eq3A : i32
    %convert_element_type3A = arith.extui %eq3A_0 : i1 to i32
    %cond3A = arith.constant 0 : i32
    %cond3A_1 = arith.cmpi ne, %convert_element_type3A, %cond3A : i32
    scf.if %cond3A_1 {
      %broadcast_in_dim3A = arith.constant 0.000000e+00 : f32
      %broadcast_in_dim3A_7 = vector.broadcast %broadcast_in_dim3A : f32 to vector<2048x768xf32>
      %swap3A = arith.constant 0 : index
      %swap3A_8 = arith.constant 0 : index
      %swap3A_9 = vector.load %arg10[%swap3A, %swap3A_8] : memref<2048x768xf32, #tpu.memory_space<vmem>>, vector<2048x768xf32>
      tpu.vector_store %arg10[%swap3A, %swap3A_8], %broadcast_in_dim3A_7 {strides = array<i32>} : memref<2048x768xf32, #tpu.memory_space<vmem>>, vector<2048x768xf32>,
    } else {
    }
    %get3A = arith.index_cast %arg0 : i32 to index
    %get3A_2 = memref.load %arg2[%get3A] : memref<96xi32, #tpu.memory_space<smem>>
    %ne3A = arith.constant 0 : i32
    %ne3A_3 = arith.cmpi ne, %get3A_2, %ne3A : i32
    %convert_element_type3A_4 = arith.extui %ne3A_3 : i1 to i32
    %cond3A_5 = arith.constant 0 : i32
    %cond3A_6 = arith.cmpi ne, %convert_element_type3A_4, %cond3A_5 : i32
    scf.if %cond3A_6 {
      %mul3A = arith.constant 128 : i32
      %mul3A_7 = arith.muli %arg0, %mul3A : i32
      %get3A_8 = arith.index_cast %mul3A_7 : i32 to index
      %get3A_9 = arith.constant 0 : index
      %get3A_10 = vector.load %arg3[%get3A_8, %get3A_9] : memref<12288x1xi32, #tpu.memory_space<vmem>>, vector<128x1xi32>
      %iota3A = tpu.iota {dimensions = array<i32: 1>} : vector<128x2048xi32>
      %eq3A_11 = vector.broadcast %get3A_10 : vector<128x1xi32> to vector<128x2048xi32>
      %eq3A_12 = arith.cmpi eq, %eq3A_11, %iota3A : vector<128x2048xi32>
      %convert_element_type3A_13 = arith.extui %eq3A_12 : vector<128x2048xi1> to vector<128x2048xi32>
      %convert_element_type3A_14 = arith.sitofp %convert_element_type3A_13 : vector<128x2048xi32> to vector<128x2048xf32>
      %convert_element_type3A_15 = arith.truncf %convert_element_type3A_14 : vector<128x2048xf32> to vector<128x2048xbf16>
      %get3A_16 = arith.constant 0 : index
      %get3A_17 = arith.constant 0 : index
      %get3A_18 = vector.load %arg6[%get3A_16, %get3A_17] : memref<2048x768xbf16, #tpu.memory_space<vmem>>, vector<2048x768xbf16>
      %dot_general3A = arith.constant dense<0.000000e+00> : vector<128x768xf32>
      %dot_general3A_19 = tpu.matmul %convert_element_type3A_15, %get3A_18, %dot_general3A {dimension_numbers = #tpu.dot_dimension_numbers<[1], [0], [0], [1], [0, 0, 1, 1], [], []>, transpose_lhs_hint = false} : vector<128x2048xbf16>, vector<2048x768xbf16>, vector<128x768xf32> -> vector<128x768xf32>
      %convert_element_type3A_20 = arith.truncf %dot_general3A_19 : vector<128x768xf32> to vector<128x768xbf16>
      %get3A_21 = arith.constant 0 : index
      %get3A_22 = arith.constant 0 : index
      %get3A_23 = arith.constant 0 : index
      %get3A_24 = vector.load %arg7[%get3A_21, %get3A_22, %get3A_23] : memref<1x768x1024xf32, #tpu.memory_space<vmem>>, vector<1x768x1024xf32>
      %get3A_25 = vector.shape_cast %get3A_24 : vector<1x768x1024xf32> to vector<768x1024xf32>
      %convert_element_type3A_26 = arith.truncf %get3A_25 : vector<768x1024xf32> to vector<768x1024xbf16>
      %dot_general3A_27 = arith.constant dense<0.000000e+00> : vector<128x1024xf32>
      %dot_general3A_28 = tpu.matmul %convert_element_type3A_20, %convert_element_type3A_26, %dot_general3A_27 {dimension_numbers = #tpu.dot_dimension_numbers<[1], [0], [0], [1], [0, 0, 1, 1], [], []>, transpose_lhs_hint = false} : vector<128x768xbf16>, vector<768x1024xbf16>, vector<128x1024xf32> -> vector<128x1024xf32>
      %get3A_29 = arith.constant 0 : index
      %get3A_30 = arith.constant 0 : index
      %get3A_31 = arith.constant 0 : index
      %get3A_32 = vector.load %arg8[%get3A_29, %get3A_30, %get3A_31] : memref<1x768x1024xf32, #tpu.memory_space<vmem>>, vector<1x768x1024xf32>
      %get3A_33 = vector.shape_cast %get3A_32 : vector<1x768x1024xf32> to vector<768x1024xf32>
      %convert_element_type3A_34 = arith.truncf %get3A_33 : vector<768x1024xf32> to vector<768x1024xbf16>
      %dot_general3A_35 = arith.constant dense<0.000000e+00> : vector<128x1024xf32>
      %dot_general3A_36 = tpu.matmul %convert_element_type3A_20, %convert_element_type3A_34, %dot_general3A_35 {dimension_numbers = #tpu.dot_dimension_numbers<[1], [0], [0], [1], [0, 0, 1, 1], [], []>, transpose_lhs_hint = false} : vector<128x768xbf16>, vector<768x1024xbf16>, vector<128x1024xf32> -> vector<128x1024xf32>
      %neg3A = arith.constant 0.000000e+00 : f32
      %neg3A_37 = vector.broadcast %neg3A : f32 to vector<128x1024xf32>
      %neg3A_38 = arith.subf %neg3A_37, %dot_general3A_28 : vector<128x1024xf32>
      %exp3A = math.exp %neg3A_38 : vector<128x1024xf32>
      %add3A = arith.constant 1.000000e+00 : f32
      %add3A_39 = vector.broadcast %add3A : f32 to vector<128x1024xf32>
      %add3A_40 = arith.addf %add3A_39, %exp3A : vector<128x1024xf32>
      %div3A = arith.constant 1.000000e+00 : f32
      %div3A_41 = vector.broadcast %div3A : f32 to vector<128x1024xf32>
      %div3A_42 = arith.divf %div3A_41, %add3A_40 : vector<128x1024xf32>
      %mul3A_43 = arith.mulf %dot_general3A_28, %div3A_42 : vector<128x1024xf32>
      %mul3A_44 = arith.mulf %mul3A_43, %dot_general3A_36 : vector<128x1024xf32>
      %convert_element_type3A_45 = arith.truncf %mul3A_44 : vector<128x1024xf32> to vector<128x1024xbf16>
      %get3A_46 = arith.constant 0 : index
      %get3A_47 = arith.constant 0 : index
      %get3A_48 = arith.constant 0 : index
      %get3A_49 = vector.load %arg9[%get3A_46, %get3A_47, %get3A_48] : memref<1x1024x768xf32, #tpu.memory_space<vmem>>, vector<1x1024x768xf32>
      %get3A_50 = vector.shape_cast %get3A_49 : vector<1x1024x768xf32> to vector<1024x768xf32>
      %convert_element_type3A_51 = arith.truncf %get3A_50 : vector<1024x768xf32> to vector<1024x768xbf16>
      %dot_general3A_52 = arith.constant dense<0.000000e+00> : vector<128x768xf32>
      %dot_general3A_53 = tpu.matmul %convert_element_type3A_45, %convert_element_type3A_51, %dot_general3A_52 {dimension_numbers = #tpu.dot_dimension_numbers<[1], [0], [0], [1], [0, 0, 1, 1], [], []>, transpose_lhs_hint = false} : vector<128x1024xbf16>, vector<1024x768xbf16>, vector<128x768xf32> -> vector<128x768xf32>
      %mul3A_54 = arith.constant 128 : i32
      %mul3A_55 = arith.muli %arg0, %mul3A_54 : i32
      %get3A_56 = arith.index_cast %mul3A_55 : i32 to index
      %get3A_57 = arith.constant 0 : index
      %get3A_58 = vector.load %arg5[%get3A_56, %get3A_57] : memref<12288x1xf32, #tpu.memory_space<vmem>>, vector<128x1xf32>
      %mul3A_59 = vector.broadcast %get3A_58 : vector<128x1xf32> to vector<128x768xf32>
      %mul3A_60 = arith.mulf %dot_general3A_53, %mul3A_59 : vector<128x768xf32>
      %convert_element_type3A_61 = arith.truncf %mul3A_60 : vector<128x768xf32> to vector<128x768xbf16>
      %get3A_62 = arith.index_cast %arg0 : i32 to index
      %get3A_63 = arith.constant 0 : index
      %get3A_64 = arith.constant 0 : index
      %get3A_65 = vector.load %arg4[%get3A_62, %get3A_63, %get3A_64] : memref<96x1x128xi32, #tpu.memory_space<vmem>>, vector<1x1x128xi32>
      %get3A_66 = vector.shape_cast %get3A_65 : vector<1x1x128xi32> to vector<1x128xi32>
      %iota3A_67 = tpu.iota {dimensions = array<i32: 0>} : vector<2048x128xi32>
      %eq3A_68 = vector.broadcast %get3A_66 : vector<1x128xi32> to vector<2048x128xi32>
      %eq3A_69 = arith.cmpi eq, %iota3A_67, %eq3A_68 : vector<2048x128xi32>
      %convert_element_type3A_70 = arith.extui %eq3A_69 : vector<2048x128xi1> to vector<2048x128xi32>
      %convert_element_type3A_71 = arith.sitofp %convert_element_type3A_70 : vector<2048x128xi32> to vector<2048x128xf32>
      %convert_element_type3A_72 = arith.truncf %convert_element_type3A_71 : vector<2048x128xf32> to vector<2048x128xbf16>
      %get3A_73 = arith.constant 0 : index
      %get3A_74 = arith.constant 0 : index
      %get3A_75 = vector.load %arg10[%get3A_73, %get3A_74] : memref<2048x768xf32, #tpu.memory_space<vmem>>, vector<2048x768xf32>
      %dot_general3A_76 = arith.constant dense<0.000000e+00> : vector<2048x768xf32>
      %dot_general3A_77 = tpu.matmul %convert_element_type3A_72, %convert_element_type3A_61, %dot_general3A_76 {dimension_numbers = #tpu.dot_dimension_numbers<[1], [0], [0], [1], [0, 0, 1, 1], [], []>, transpose_lhs_hint = false} : vector<2048x128xbf16>, vector<128x768xbf16>, vector<2048x768xf32> -> vector<2048x768xf32>
      %add3A_78 = arith.addf %get3A_75, %dot_general3A_77 : vector<2048x768xf32>
      %swap3A = arith.constant 0 : index
      %swap3A_79 = arith.constant 0 : index
      %swap3A_80 = vector.load %arg10[%swap3A, %swap3A_79] : memref<2048x768xf32, #tpu.memory_space<vmem>>, vector<2048x768xf32>
      tpu.vector_store %arg10[%swap3A, %swap3A_79], %add3A_78 {strides = array<i32>} : memref<2048x768xf32, #tpu.memory_space<vmem>>, vector<2048x768xf32>,
    } else {
    }
    return
  }
  func.func @transform_0(%arg0: i32, %arg1: memref<96xi32, #tpu.memory_space<smem>>, %arg2: memref<96xi32, #tpu.memory_space<smem>>) -> (i32, i32) {
    %c0_i32 = arith.constant 0 : i32
    %c0_i32_0 = arith.constant 0 : i32
    %c0_i32_1 = arith.constant 0 : i32
    return %c0_i32, %c0_i32_0 : i32, i32
  }
  func.func @transform_1(%arg0: i32, %arg1: memref<96xi32, #tpu.memory_space<smem>>, %arg2: memref<96xi32, #tpu.memory_space<smem>>) -> (i32, i32, i32) {
    %c0_i32 = arith.constant 0 : i32
    %c0_i32_0 = arith.constant 0 : i32
    %c0_i32_1 = arith.constant 0 : i32
    %c0_i32_2 = arith.constant 0 : i32
    return %c0_i32, %c0_i32_0, %c0_i32_1 : i32, i32, i32
  }
  func.func @transform_2(%arg0: i32, %arg1: memref<96xi32, #tpu.memory_space<smem>>, %arg2: memref<96xi32, #tpu.memory_space<smem>>) -> (i32, i32) {
    %c0_i32 = arith.constant 0 : i32
    %c0_i32_0 = arith.constant 0 : i32
    %c0_i32_1 = arith.constant 0 : i32
    return %c0_i32, %c0_i32_0 : i32, i32
  }
  func.func @transform_3(%arg0: i32, %arg1: memref<96xi32, #tpu.memory_space<smem>>, %arg2: memref<96xi32, #tpu.memory_space<smem>>) -> (i32, i32) {
    %c0_i32 = arith.constant 0 : i32
    %c0_i32_0 = arith.constant 0 : i32
    %c0_i32_1 = arith.constant 0 : i32
    return %c0_i32, %c0_i32_0 : i32, i32
  }
  func.func @transform_4(%arg0: i32, %arg1: memref<96xi32, #tpu.memory_space<smem>>, %arg2: memref<96xi32, #tpu.memory_space<smem>>) -> (i32, i32, i32) {
    %get3A = arith.index_cast %arg0 : i32 to index
    %get3A_0 = memref.load %arg1[%get3A] : memref<96xi32, #tpu.memory_space<smem>>
    %c0_i32 = arith.constant 0 : i32
    %c0_i32_1 = arith.constant 0 : i32
    %c0_i32_2 = arith.constant 0 : i32
    return %get3A_0, %c0_i32, %c0_i32_1 : i32, i32, i32
  }
  func.func @transform_5(%arg0: i32, %arg1: memref<96xi32, #tpu.memory_space<smem>>, %arg2: memref<96xi32, #tpu.memory_space<smem>>) -> (i32, i32, i32) {
    %get3A = arith.index_cast %arg0 : i32 to index
    %get3A_0 = memref.load %arg1[%get3A] : memref<96xi32, #tpu.memory_space<smem>>
    %c0_i32 = arith.constant 0 : i32
    %c0_i32_1 = arith.constant 0 : i32
    %c0_i32_2 = arith.constant 0 : i32
    return %get3A_0, %c0_i32, %c0_i32_1 : i32, i32, i32
  }
  func.func @transform_6(%arg0: i32, %arg1: memref<96xi32, #tpu.memory_space<smem>>, %arg2: memref<96xi32, #tpu.memory_space<smem>>) -> (i32, i32, i32) {
    %get3A = arith.index_cast %arg0 : i32 to index
    %get3A_0 = memref.load %arg1[%get3A] : memref<96xi32, #tpu.memory_space<smem>>
    %c0_i32 = arith.constant 0 : i32
    %c0_i32_1 = arith.constant 0 : i32
    %c0_i32_2 = arith.constant 0 : i32
    return %get3A_0, %c0_i32, %c0_i32_1 : i32, i32, i32
  }
  func.func @transform_7(%arg0: i32, %arg1: memref<96xi32, #tpu.memory_space<smem>>, %arg2: memref<96xi32, #tpu.memory_space<smem>>) -> (i32, i32) {
    %c0_i32 = arith.constant 0 : i32
    %c0_i32_0 = arith.constant 0 : i32
    %c0_i32_1 = arith.constant 0 : i32
    return %c0_i32, %c0_i32_0 : i32, i32
  }
}

</mosaic_0001>

<sc_bundles>
// kernel: kernel.5.cloned.1.call-start
scs
__scs_entry_jumppad:
0x0: {  	(pc) =	sbr.rel $0x88, $3  }
0x1: {  	(tag) =	ssettag $0x0;
	lr =	simm.s32 $0x1  }
0x2: {  	[smem:$0x3F9C] =	sst lr;
	_ =	strace $0xD0000000  }
0x3: {  	_ = 	snop  }
0x4: {  	_ = 	snop  }
0x5: {  	_ = 	snop  }
0x6: {  	_ = 	snop  }
0x7: {  	_ = 	snop  }
__scs_overlays_trampoline_lowered:
0x8: {  	[smem:$0x3FAB] =	sst s0  }
0x9: {  	[smem:$0x3FAC] =	sst s1  }
0xa: {  	[smem:$0x3FAD] =	sst s2  }
0xb: {  	[smem:$0x3FAE] =	sst s3  }
0xc: {  	[smem:$0x3FAF] =	sst s4  }
0xd: {  	[smem:$0x3FB0] =	sst s5  }
0xe: {  	[smem:$0x3FB1] =	sst s6  }
0xf: {  	[smem:$0x3FB2] =	sst s7  }
0x10: {  	[smem:$0x3FB3] =	sst s8  }
0x11: {  	[smem:$0x3FB4] =	sst s9;
	s0 =	simm.s32 @!p0 $0x0  }
0x12: {  	s1 =	sld [smem:$0x3F9A];
	s0 =	simm.s32 @p0 $0x1  }
0x13: {  	[smem:$0x3FB5] =	sst s0;
	s0 =	simm.s32 @!p1 $0x0  }
0x14: {  	s2 =	sld [smem:$0x3F99];
	s0 =	simm.s32 @p1 $0x1  }
0x15: {  	[smem:$0x3FB6] =	sst s0;
	s0 =	simm.s32 @!p2 $0x0  }
0x16: {  	s3 =	sld [smem:$0x3FDB];
	s0 =	simm.s32 @p2 $0x1  }
0x17: {  	s4 =	simm.s32 $0x1BF5;
	[smem:$0x3FB8] =	sst s0  }
0x18: {  	s0 =	sld [smem:$0x3F9B];
	_ =	swait.ge [sflag:s4], $0x0  }
0x19: {  	s7 =	sld [smem:$0x3F9C]  }
0x1a: {  	s8 =	sadd.s32 $0xFFFFE003, lr  }
0x1b: {  	s9 =	sadd.s32 $0xFFFFFEF7, lr;
	s5 =	simm.s32 $0xFFFFFFFF;
	p2 =	slt.u32 s8, $0xFFFFF086  }
0x1c: {  	p1 =	slt.u32 s9, $0xF7A;
	s5 =	simm.s32 @!p2 $0x0  }
0x1d: {  	s5 =	simm.s32 @p1 $0x1;
	p0 =	seq.s32 s7, s2  }
0x1e: {  	s7 =	smul.u32 @!p0 $0xF7A, s2;
	p2 =	seq.s32 @!p0 s5, $0x0  }
0x1f: {  	s9 =	smul.u32 $0xF7A, s1;
	s8 =	simm.s32 @!p0 $0x1BF5;
	p2 =	por !p2, p0  }
0x20: {  	[sflag:s8] =	ssyncset.s32 @!p0 $0xFFFFF086;
	s6 =	sadd.s32 @!p0 s3, s7;
	s7 =	simm.s32 @!p0 $0x108  }
0x21: {  	s3 =	sadd.s32 s3, s9;
	s6 =	sadd.s32 @!p0 $0x88, s6;
	s7 =	simm.s32 @p2 $0x1082  }
0x22: {  	[simem:s7], [sflag:s8] =	dma.local @!p0 [hbm:s6], $0xF7A  }
0x23: {  	s9 =	sor.u32 $0xD0000000, s2;
	s6 =	simm.s32 $0x108;
	_ =	swait.ge @!p0 [sflag:s8], $0x0  }
0x24: {  	s3 =	sadd.s32 $0x88, s3;
	s6 =	simm.s32 @!p1 $0x1082;
	[sflag:s4] =	ssyncset.s32 $0xFFFFF086  }
0x25: {  	[simem:s6], [sflag:s4] =	dma.local [hbm:s3], $0xF7A  }
0x26: {  	[smem:$0x3F9C] =	sst s1;
	(tag) =	ssettag s2;
	_ =	strace s9  }
0x27: {  	s1 =	sld [smem:$0x3FAC]  }
0x28: {  	s2 =	sld [smem:$0x3FAD]  }
0x29: {  	s4 =	sld [smem:$0x3FAF]  }
0x2a: {  	p0 =	seq.s32 s5, $0x0;
	s5 =	sld [smem:$0x3FB0]  }
0x2b: {  	s6 =	sld [smem:$0x3FB1]  }
0x2c: {  	s7 =	sld [smem:$0x3FB2]  }
0x2d: {  	s3 =	simm.s32 $0x108;
	s8 =	sld [smem:$0x3FB3]  }
0x2e: {  	s3 =	simm.s32 @!p0 $0x1082;
	s9 =	sld [smem:$0x3FB4]  }
0x2f: {  	lr =	sadd.s32 s0, s3;
	s0 =	sld [smem:$0x3FAB]  }
0x30: {  	s3 =	sld [smem:$0x3FAE]  }
0x31: {  	[smem:$0x3FB7] =	sst s10  }
0x32: {  	s10 =	sld [smem:$0x3FB5];
	_ =	sdelay $0x3  }
0x33: {  	p0 =	seq.s32 s10, $0x1;
	s10 =	sld [smem:$0x3FB7];
	_ =	sdelay $0x3  }
0x34: {  	[smem:$0x3FB7] =	sst s10  }
0x35: {  	s10 =	sld [smem:$0x3FB6];
	_ =	sdelay $0x3  }
0x36: {  	p1 =	seq.s32 s10, $0x1;
	s10 =	sld [smem:$0x3FB7];
	_ =	sdelay $0x3  }
0x37: {  	[smem:$0x3FB7] =	sst s10  }
0x38: {  	s10 =	sld [smem:$0x3FB8]  }
0x39: {  	_ = 	snop;
	(pc) =	sbr.ind lr, $3  }
0x3a: {  	_ = 	snop  }
0x3b: {  	_ = 	snop  }
0x3c: {  	p2 =	seq.s32 s10, $0x1;
	s10 =	sld [smem:$0x3FB7]  }
0x3d: {  	_ =	shalt  }
0x3e: {  	_ =	shalt  }
0x3f: {  	_ =	shalt  }
0x40: {  	_ =	shalt  }
0x41: {  	_ =	shalt  }
0x42: {  	_ =	shalt  }
0x43: {  	_ =	shalt  }
0x44: {  	_ =	shalt  }
0x45: {  	_ =	shalt  }
0x46: {  	_ =	shalt  }
0x47: {  	_ =	shalt  }
0x48: {  	_ =	shalt  }
0x49: {  	_ =	shalt  }
0x4a: {  	_ =	shalt  }
0x4b: {  	_ =	shalt  }
0x4c: {  	_ =	shalt  }
0x4d: {  	_ =	shalt  }
0x4e: {  	_ =	shalt  }
0x4f: {  	_ =	shalt  }
0x50: {  	_ =	shalt  }
0x51: {  	_ =	shalt  }
0x52: {  	_ =	shalt  }
0x53: {  	_ =	shalt  }
0x54: {  	_ =	shalt  }
0x55: {  	_ =	shalt  }
0x56: {  	_ =	shalt  }
0x57: {  	_ =	shalt  }
0x58: {  	_ =	shalt  }
0x59: {  	_ =	shalt  }
0x5a: {  	_ =	shalt  }
0x5b: {  	_ =	shalt  }
0x5c: {  	_ =	shalt  }
0x5d: {  	_ =	shalt  }
0x5e: {  	_ =	shalt  }
0x5f: {  	_ =	shalt  }
0x60: {  	_ =	shalt  }
0x61: {  	_ =	shalt  }
0x62: {  	_ =	shalt  }
0x63: {  	_ =	shalt  }
0x64: {  	_ =	shalt  }
0x65: {  	_ =	shalt  }
0x66: {  	_ =	shalt  }
0x67: {  	_ =	shalt  }
0x68: {  	_ =	shalt  }
0x69: {  	_ =	shalt  }
0x6a: {  	_ =	shalt  }
0x6b: {  	_ =	shalt  }
0x6c: {  	_ =	shalt  }
0x6d: {  	_ =	shalt  }
0x6e: {  	_ =	shalt  }
0x6f: {  	_ =	shalt  }
0x70: {  	_ =	shalt  }
0x71: {  	_ =	shalt  }
0x72: {  	_ =	shalt  }
0x73: {  	_ =	shalt  }
0x74: {  	_ =	shalt  }
0x75: {  	_ =	shalt  }
0x76: {  	_ =	shalt  }
0x77: {  	_ =	shalt  }
0x78: {  	_ =	shalt  }
0x79: {  	_ =	shalt  }
0x7a: {  	_ =	shalt  }
0x7b: {  	_ =	shalt  }
0x7c: {  	_ =	shalt  }
0x7d: {  	_ =	shalt  }
0x7e: {  	_ =	shalt  }
0x7f: {  	_ =	shalt  }
0x80: {  	_ =	shalt  }
0x81: {  	_ =	shalt  }
0x82: {  	_ =	shalt  }
0x83: {  	_ =	shalt  }
0x84: {  	_ =	shalt  }
0x85: {  	_ =	shalt  }
0x86: {  	_ =	shalt  }
0x87: {  	_ =	shalt  }
.Lfunc_end0:
.L_simem_size_0:
called_computation_lowered:
.L_overlay_start_0:
0x88: {  	s2 =	sld [smem:$0x3FD9]  }
0x89: {  	s3 =	sld [smem:$0x3FFE];
	_ =	sdelay $0x1  }
0x8a: {  	s1 =	srdreg.scid  }
0x8b: {  	s0 =	sand.u32 $0x1, s1  }
0x8c: {  	s17 =	sshll.u32 s0, $0xA;
	s2 =	sadd.s32 s3, s2  }
0x8d: {  	s2 =	sadd.s32 s2, s17  }
0x8e: {  	[smem:$0x3FC3] =	sst s2  }
0x8f: {  	_ = 	snop  }
0x90: {  	s2 =	sld [smem:$0x3FD0];
	(tm) =	ssettm $0x1  }
0x91: {  	s18 =	sld [smem:$0x3FFB];
	_ =	sdelay $0x3  }
0x92: {  	_ =	strace s18  }
0x93: {  	s3 =	sld [smem:$0x3FFC];
	_ =	sdelay $0x3  }
0x94: {  	_ =	strace s3  }
0x95: {  	s3 =	sld [smem:$0x3FFD];
	_ =	sdelay $0x3  }
0x96: {  	_ =	strace s3  }
0x97: {  	_ =	strace $0x8FFFFFFF  }
0x98: {  	s19 =	sld [smem:$0x3FDB];
	_ =	sdelay $0x1  }
0x99: {  	s4 =	simm.s32 $_scs_section_size  }
0x9a: {  	s5 =	simm.s32 $_size__tile_overlayer_lowered;
	s6 =	simm.s32 $_tile_overlayer_lowered  }
0x9b: {  	s22 =	simm.s32 $0x1BFF;
	s21 =	sshll.u32 s6, $0x1;
	s3 =	sadd.s32 s4, s19  }
0x9c: {  	s7 =	simm.s32 $0x0;
	s20 =	sshll.u32 s5, $0x1;
	s5 =	sadd.s32 s21, s3  }
0x9d: {  	[timem:s7], [sflag:s22] =	dma.local [hbm:s5], s20  }
0x9e: {  	_ =	swait.ge [sflag:s22], s20  }
0x9f: {  	s4 =	ssub.s32 $0x0, s20;
	[sflag:s22] =	ssyncset.done $0x0  }
0xa0: {  	[sflag:s22] =	ssyncadd.s32 s4;
	_ =	sdelay $0x1  }
0xa1: {  	s23 =	simm.s32 $0x1B8B  }
0xa2: {  	_ =	swait.ge [sflag:s23], $0x1  }
0xa3: {  	[sflag:s23] =	ssyncset.done $0x0  }
0xa4: {  	s25 =	simm.s32 $0x1B8E;
	s24 =	sld [smem:$0x3FFE];
	[sflag:s23] =	ssyncadd.s32 $0xFFFFFFFF  }
0xa5: {  	s26 =	simm.s32 $execute0_lowered;
	[smem:$0x3FD2] =	sst s25  }
0xa6: {  	s5 =	sshll.u32 s26, $0x1;
	_ =	strace $0x80000046;
	[dreg:$0x1] =	wrdreg $0xFFFFFFFF  }
0xa7: {  	s28 =	simm.s32 $_size_execute0_lowered;
	s3 =	sadd.s32 s3, s5;
	[dreg:$0x0] =	wrdreg $0x0  }
0xa8: {  	s5 =	sshll.u32 s28, $0x1;
	[dreg:$0x2] =	wrdreg s3  }
0xa9: {  	[dreg:$0x3] =	wrdreg s5  }
0xaa: {  	[dreg:$0x4] =	wrdreg $0xC0  }
0xab: {  	_ =	task [dreg:s7], $0x5FFFF  }
0xac: {  	[dreg:$0x1] =	wrdreg $0xFFFFFFFF  }
0xad: {  	[dreg:$0x0] =	wrdreg $0x60  }
0xae: {  	[dreg:$0x2] =	wrdreg s24  }
0xaf: {  	[dreg:$0x3] =	wrdreg s2  }
0xb0: {  	[dreg:$0x4] =	wrdreg $0x9  }
0xb1: {  	_ =	task.clear_ibuf [dreg:s7], $0x5FFFF;
	_ =	strace $0x90000046  }
0xb2: {  	s29 =	simm.s32 $0x9;
	_ =	strace $0x80000048  }
0xb3: {  	_ =	swait.ge [sflag:s29], $0x1  }
0xb4: {  	[sflag:s29] =	ssyncadd.s32 $0xFFFFFFFF  }
0xb5: {  	_ =	strace $0x90000048  }
0xb6: {  	_ =	sfence  }
0xb7: {  	s30 =	sld [smem:$0x0];
	_ =	sdelay $0x2  }
0xb8: {  	s31 =	sshll.u32 s1, $0xD;
	s1 =	sshrl.u32 s1, $0x2  }
0xb9: {  	s3 =	sand.u32 $0x4000, s31;
	s1 =	sadd.s32 s1, s30  }
0xba: {  	s0 =	sor.u32 s3, s0;
	s1 =	sshll.u32 s1, $0x11  }
0xbb: {  	s0 =	sor.u32 s1, s0  }
0xbc: {  	s0 =	sadd.s32 $0x8F2B, s0  }
0xbd: {  	[sflag:s0] =	ssyncadd.remote.s32 $0x1  }
0xbe: {  	_ =	sfence.sel $0xFFFF  }
0xbf: {  	[dreg:$0x0] =	wrdreg $0xFFFFFFFF;
	(pc) =	sbr.abs _section_cstart, $3  }
0xc0: {  	[dreg:$0x1] =	wrdreg $0xFFFFFFFF  }
0xc1: {  	_ =	task.clear_ibuf [dreg:s7], $0x2FFFF;
	_ =	strace $0x9FFFFFFF  }
0xc2: {  	(tm) =	ssettm $0x7FFFFFFF  }
0xc3: {  	_ =	shalt  }
tec
execute0_lowered:
.L_overlay_start_1:
0x0: {  	(tag) =	ssettag $0x1  }
0x1: {  	s0 =	srdreg.scid  }
0x2: {  	s4 =	sand.u32 $0x1, s0;
	s0 =	stileid.u32  }
0x3: {  	s3 =	sshll.u32 s0, $0x1;
	s5 =	ssub.s32 $0x0, s4  }
0x4: {  	p0 =	sne.s32 s3, s5  }
.Ltmp0:
0x5: {  	_ = 	snop;
	(pc) =	sbr.rel @p0 .LBB2_9-.Ltmp0, $4  }
0x6: {  	_ = 	snop  }
0x7: {  	s7 =	rddreg [dreg:$0x0]  }
0x8: {  	s2 =	rddreg [dreg:$0x1]  }
0x9: {  	s1 =	rddreg [dreg:$0x2];
	_ =	strace $0x80000047  }
0xa: {  	s3 =	sadd.s32 $0xE00, s7;
	s8 =	ssub.s32 $0x2, s4  }
0xb: {  	s4 =	sadd.s32 $0x1000, s7;
	s5 =	sadd.s32 $0x1200, s7;
	s6 =	sadd.s32 $0x1800, s7  }
0xc: {  	s7 =	sadd.s32 $0x1A00, s7;
	v0 =	vlaneseq.u32;
	s10 =	simm.s32 $0x2100;
	s12 =	simm.s32 $0x0  }
0xd: {  	v1 =	vimm.s32 $0x0;
	v2 =	vimm.s32 $0x1;
	s14 =	simm.s32 $0x2080;
	s15 =	simm.s32 $0x2180;
	s16 =	simm.s32 $0x6180;
	v12 =	vimm.f32 $0.0e+00  }
0xe: {  	s13 =	simm.s32 $0x1;
	s17 =	simm.s32 $0x9180;
	s9 =	sshrl.u32 s8, $0x1;
	v3 =	vor.u32 $0x80000000, v0;
	v4 =	vor.u32 $0x80000010, v0;
	v5 =	vor.u32 $0x80000020, v0  }
0xf: {  	s18 =	simm.s32 $0x9200;
	s19 =	simm.s32 $0x0;
	v6 =	vor.u32 $0x80000030, v0;
	v7 =	vor.u32 $0x10, v0;
	v8 =	vor.u32 $0x20, v0;
	s11 =	ssub.s32 s8, s9  }
0x10: {  	v9 =	vor.u32 $0x30, v0;
	v10 =	vor.u32 $0x40, v0;
	v11 =	vor.u32 $0x50, v0;
	s8 =	simm.s32 $0x5180;
	s9 =	simm.s32 $0x2000;
	s11 =	smax.u32 s11, $0x1  }
.LBB2_2:
0x11: {  	[tilespmem:s12], [sflag:$0x1] =	stream.linear.gather [hbm4b:s3+s12], $0x1000, $0x38;
	[tilespmem:$0x9280] =	vst v63  }
0x12: {  	_ =	swait.ge [sflag:s13], $0x1000  }
0x13: {  	[sflag:s13] =	ssyncset.done $0x0  }
0x14: {  	[sflag:s13] =	ssyncadd.s32 $0xFFFFF000  }
0x15: {  	[tilespmem:s8], [sflag:$0x1] =	stream.linear.gather [hbm4b:s4+s12], $0x1000, $0x38;
	[tilespmem:$0x9280] =	vst v63  }
0x16: {  	_ =	swait.ge [sflag:s13], $0x1000  }
0x17: {  	[sflag:s13] =	ssyncset.done $0x0  }
0x18: {  	[sflag:s13] =	ssyncadd.s32 $0xFFFFF000  }
0x19: {  	[tilespmem:$0x2000] =	vst v1  }
0x1a: {  	[tilespmem:$0x2010] =	vst v1  }
0x1b: {  	[tilespmem:$0x2020] =	vst v1  }
0x1c: {  	s22 =	simm.s32 $0x0;
	[tilespmem:$0x2030] =	vst v1  }
0x1d: {  	v13 =	vld [tilespmem:s22+$0x0];
	_ =	sdelay $0x4  }
0x1e: {  	(xrf1) =	vunique.msk.u32 $0xffff, v13;
	_ =	sdelay $0xb  }
0x1f: {  	v14 =	vld.idx.msk [tilespmem:v13+s9+$0x0], $0xffff;
	_ =	sdelay $0x1  }
0x20: {  	_, v15, vm0 =	vpop (xrf1);
	_ =	sdelay $0x2  }
0x21: {  	v14 =	vadd.s32 v14, v15  }
0x22: {  	v15 =	vadd.s32 $0xFFFFFFFF, v14  }
0x23: {  	[tilespmem:s22+$0x1000] =	vst v15  }
0x24: {  	[tilespmem:v13+s9+$0x0] =	vst.idx.msk vm0, v14  }
0x25: {  	v13 =	vld [tilespmem:s22+$0x10];
	_ =	sdelay $0x4  }
0x26: {  	(xrf1) =	vunique.msk.u32 $0xffff, v13;
	_ =	sdelay $0xa  }
0x27: {  	v14 =	vld.idx.msk [tilespmem:v13+s9+$0x0], $0xffff;
	_ =	sdelay $0x2  }
0x28: {  	_, v15, vm0 =	vpop (xrf1);
	_ =	sdelay $0x1  }
0x29: {  	v14 =	vadd.s32 v14, v15  }
0x2a: {  	v15 =	vadd.s32 $0xFFFFFFFF, v14  }
0x2b: {  	s20 =	simm.s32 $0x80;
	s21 =	simm.s32 $0x100;
	[tilespmem:s22+$0x1010] =	vst v15  }
.LBB2_3:
0x2c: {  	p0 =	sne.s32 s21, $0x3F80  }
0x2d: {  	s22 =	sshra.s32 s20, $0x2;
	[tilespmem:v13+s9+$0x0] =	vst.idx.msk vm0, v14;
	s20 =	smov.u32 s21;
	s21 =	sadd.s32 $0x80, s21  }
0x2e: {  	v13 =	vld [tilespmem:s22+$0x0];
	_ =	sdelay $0x4  }
0x2f: {  	(xrf1) =	vunique.msk.u32 $0xffff, v13;
	_ =	sdelay $0xa  }
0x30: {  	v14 =	vld.idx.msk [tilespmem:v13+s9+$0x0], $0xffff;
	_ =	sdelay $0x2  }
0x31: {  	_, v15, vm0 =	vpop (xrf1);
	_ =	sdelay $0x2  }
0x32: {  	v14 =	vadd.s32 v14, v15  }
0x33: {  	v15 =	vadd.s32 $0xFFFFFFFF, v14  }
0x34: {  	[tilespmem:s22+$0x1000] =	vst v15  }
0x35: {  	[tilespmem:v13+s9+$0x0] =	vst.idx.msk vm0, v14  }
0x36: {  	v13 =	vld [tilespmem:s22+$0x10];
	_ =	sdelay $0x4  }
0x37: {  	(xrf1) =	vunique.msk.u32 $0xffff, v13;
	_ =	sdelay $0xa  }
0x38: {  	v14 =	vld.idx.msk [tilespmem:v13+s9+$0x0], $0xffff;
	_ =	sdelay $0x2  }
0x39: {  	_, v15, vm0 =	vpop (xrf1)  }
.Ltmp1:
0x3a: {  	(pc) =	sbr.rel @p0 .LBB2_3-.Ltmp1, $4  }
0x3b: {  	_ = 	snop  }
0x3c: {  	v14 =	vadd.s32 v14, v15  }
0x3d: {  	v15 =	vadd.s32 $0xFFFFFFFF, v14  }
0x3e: {  	[tilespmem:s22+$0x1010] =	vst v15  }
0x3f: {  	_ =	sdelay $0x4  }
0x40: {  	s20 =	sshra.s32 s20, $0x2;
	[tilespmem:v13+s9+$0x0] =	vst.idx.msk vm0, v14  }
0x41: {  	v13 =	vld [tilespmem:s20+$0x0];
	_ =	sdelay $0x4  }
0x42: {  	(xrf1) =	vunique.msk.u32 $0xffff, v13;
	_ =	sdelay $0xb  }
0x43: {  	v14 =	vld.idx.msk [tilespmem:v13+s9+$0x0], $0xffff;
	_ =	sdelay $0x1  }
0x44: {  	_, v15, vm11 =	vpop (xrf1);
	_ =	sdelay $0x2  }
0x45: {  	v14 =	vadd.s32 v14, v15  }
0x46: {  	v15 =	vadd.s32 $0xFFFFFFFF, v14  }
0x47: {  	[tilespmem:s20+$0x1000] =	vst v15  }
0x48: {  	[tilespmem:v13+s9+$0x0] =	vst.idx.msk vm11, v14  }
0x49: {  	v13 =	vld [tilespmem:s20+$0x10];
	_ =	sdelay $0x4  }
0x4a: {  	(xrf1) =	vunique.msk.u32 $0xffff, v13;
	_ =	sdelay $0xb  }
0x4b: {  	v14 =	vld.idx.msk [tilespmem:v13+s9+$0x0], $0xffff;
	_ =	sdelay $0x1  }
0x4c: {  	_, v15, vm12 =	vpop (xrf1);
	_ =	sdelay $0x2  }
0x4d: {  	v14 =	vadd.s32 v14, v15  }
0x4e: {  	v15 =	vadd.s32 $0xFFFFFFFF, v14  }
0x4f: {  	[tilespmem:s20+$0x1010] =	vst v15  }
0x50: {  	[tilespmem:v13+s9+$0x0] =	vst.idx.msk vm12, v14  }
0x51: {  	v13 =	vld [tilespmem:$0x2000];
	_ =	sdelay $0x4  }
0x52: {  	v14 =	vadd.s32 $0x7F, v13  }
0x53: {  	v14 =	vshra.s32 v14, $0x7  }
0x54: {  	(xrf0) =	vadd.scan.msk.s32 $0xffff, v14;
	_ =	sdelay $0x5  }
0x55: {  	v15, _, _ =	vpop (xrf0)  }
0x56: {  	v16 =	vxor.u32 $0x80000000, v15  }
0x57: {  	(xrf0) =	vmax.scan.msk.u32 $0xffff, v16  }
0x58: {  	[tilespmem:$0x2100] =	vst v1  }
0x59: {  	[tilespmem:$0x2110] =	vst v1  }
0x5a: {  	[tilespmem:$0x2120] =	vst v1  }
0x5b: {  	[tilespmem:$0x2130] =	vst v1  }
0x5c: {  	[tilespmem:$0x2140] =	vst v1  }
0x5d: {  	[tilespmem:$0x2150] =	vst v1;
	v14 =	vsub.s32 v15, v14;
	v16, _, _ =	vpop (xrf0)  }
0x5e: {  	[tilespmem:$0x2160] =	vst v1;
	v14 =	vshll.u32 v14, $0x7;
	(v2sf) =	vpush v16, $0xF  }
0x5f: {  	[tilespmem:$0x2080] =	vst v14  }
0x60: {  	[tilespmem:v15+s10+$0x0] =	vst.idx.add.s32.msk $0xffff, v2  }
0x61: {  	v14 =	vld [tilespmem:$0x2010];
	_ =	sdelay $0x3  }
0x62: {  	vm13 =	vgt.s32 v13, $0x0  }
0x63: {  	v13 =	vnsel vm13, $0x7FFFFFFF, v3;
	v15 =	vadd.s32 $0x7F, v14  }
0x64: {  	(xrf0) =	vmax.scan.msk.u32 $0xffff, v13;
	v13 =	vshra.s32 v15, $0x7  }
0x65: {  	(xrf0) =	vadd.scan.msk.s32 $0xffff, v13;
	_ =	sdelay $0x4  }
0x66: {  	v15, _, _ =	vpop (xrf0);
	s30 =	spop (v2sf)  }
0x67: {  	v53, _, _ =	vpop (xrf0);
	s21 =	sxor.u32 $0x80000000, s30  }
0x68: {  	v16 =	vxor.u32 $0x80000000, v53;
	v17 =	vadd.s32 s21, v53  }
0x69: {  	(xrf0) =	vmax.scan.msk.u32 $0xffff, v16  }
0x6a: {  	v13 =	vsub.s32 v17, v13  }
0x6b: {  	v13 =	vshll.u32 v13, $0x7  }
0x6c: {  	[tilespmem:$0x2090] =	vst v13  }
0x6d: {  	[tilespmem:v17+s10+$0x0] =	vst.idx.add.s32.msk $0xffff, v2  }
0x6e: {  	v13 =	vld [tilespmem:$0x2020]  }
0x6f: {  	(v2sf) =	vpush v15, $0xF;
	v15, _, _ =	vpop (xrf0)  }
0x70: {  	(v2sf) =	vpush v15, $0xF;
	_ =	sdelay $0x1  }
0x71: {  	vm14 =	vgt.s32 v14, $0x0  }
0x72: {  	v14 =	vnsel vm14, $0x7FFFFFFF, v4;
	v15 =	vadd.s32 $0x7F, v13  }
0x73: {  	(xrf0) =	vmax.scan.msk.u32 $0xffff, v14;
	v14 =	vshra.s32 v15, $0x7  }
0x74: {  	(xrf0) =	vadd.scan.msk.s32 $0xffff, v14;
	_ =	sdelay $0x4  }
0x75: {  	v15, _, _ =	vpop (xrf0)  }
0x76: {  	v54, _, _ =	vpop (xrf0)  }
0x77: {  	v55 =	vxor.u32 $0x80000000, v54  }
0x78: {  	(xrf0) =	vmax.scan.msk.u32 $0xffff, v55  }
0x79: {  	s20 =	spop (v2sf)  }
0x7a: {  	s22 =	spop (v2sf)  }
0x7b: {  	s21 =	sadd.s32 s22, s21  }
0x7c: {  	s21 =	sadd.s32 $0x80000000, s21  }
0x7d: {  	v16 =	vadd.s32 s21, v54  }
0x7e: {  	(v2sf) =	vpush v15, $0xF;
	v15, _, _ =	vpop (xrf0)  }
0x7f: {  	v14 =	vsub.s32 v16, v14;
	(v2sf) =	vpush v15, $0xF  }
0x80: {  	v14 =	vshll.u32 v14, $0x7  }
0x81: {  	[tilespmem:$0x20A0] =	vst v14  }
0x82: {  	[tilespmem:v16+s10+$0x0] =	vst.idx.add.s32.msk $0xffff, v2  }
0x83: {  	v14 =	vld [tilespmem:$0x2030];
	_ =	sdelay $0x3  }
0x84: {  	vm15 =	vgt.s32 v13, $0x0  }
0x85: {  	v13 =	vnsel vm15, $0x7FFFFFFF, v5;
	v15 =	vadd.s32 $0x7F, v14  }
0x86: {  	(xrf0) =	vmax.scan.msk.u32 $0xffff, v13;
	v13 =	vshra.s32 v15, $0x7  }
0x87: {  	(xrf0) =	vadd.scan.msk.s32 $0xffff, v13;
	_ =	sdelay $0x2  }
0x88: {  	s22 =	spop (v2sf)  }
0x89: {  	s23 =	spop (v2sf)  }
0x8a: {  	v15, _, _ =	vpop (xrf0);
	s21 =	sadd.s32 s23, s21  }
0x8b: {  	v56, _, _ =	vpop (xrf0);
	s21 =	sadd.s32 $0x80000000, s21  }
0x8c: {  	v57 =	vadd.s32 s21, v56;
	_ =	sdelay $0x1  }
0x8d: {  	v13 =	vsub.s32 v57, v13  }
0x8e: {  	v13 =	vshll.u32 v13, $0x7  }
0x8f: {  	[tilespmem:$0x20B0] =	vst v13  }
0x90: {  	[tilespmem:v57+s10+$0x0] =	vst.idx.add.s32.msk $0xffff, v2  }
0x91: {  	v13 =	vld [tilespmem:$0x2100];
	_ =	sdelay $0x1  }
0x92: {  	vm4 =	vgt.s32 v14, $0x0;
	v16 =	vxor.u32 $0x80000000, v56  }
0x93: {  	v14 =	vnsel vm4, $0x7FFFFFFF, v6;
	(xrf0) =	vmax.scan.msk.u32 $0xffff, v16  }
0x94: {  	(xrf0) =	vmax.scan.msk.u32 $0xffff, v14  }
0x95: {  	(xrf0) =	vadd.scan.msk.s32 $0xffff, v13;
	_ =	sdelay $0x3  }
0x96: {  	v13, _, _ =	vpop (xrf0)  }
0x97: {  	v14, _, _ =	vpop (xrf0)  }
0x98: {  	v58, _, _ =	vpop (xrf0)  }
0x99: {  	v59 =	vxor.u32 $0x80000000, v58  }
0x9a: {  	(xrf0) =	vmax.scan.msk.u32 $0xffff, v59;
	_ =	sdelay $0x3  }
0x9b: {  	(v2sf) =	vpush v15, $0xF  }
0x9c: {  	(v2sf) =	vpush v13, $0xF  }
0x9d: {  	(v2sf) =	vpush v14, $0xF;
	v13, _, _ =	vpop (xrf0)  }
0x9e: {  	(v2sf) =	vpush v13, $0xF;
	_ =	sdelay $0x4  }
0x9f: {  	v13 =	vld [tilespmem:$0x2110];
	_ =	sdelay $0x4  }
0xa0: {  	(xrf0) =	vadd.scan.msk.s32 $0xffff, v13;
	_ =	sdelay $0x1  }
0xa1: {  	s31 =	spop (v2sf)  }
0xa2: {  	s24 =	spop (v2sf)  }
0xa3: {  	s25 =	spop (v2sf)  }
0xa4: {  	s26 =	spop (v2sf)  }
0xa5: {  	v13, _, _ =	vpop (xrf0);
	s26 =	sxor.u32 $0x80000000, s26  }
0xa6: {  	v13 =	vadd.s32 s26, v13  }
0xa7: {  	v14 =	vxor.u32 $0x80000000, v13  }
0xa8: {  	(xrf0) =	vmax.scan.msk.u32 $0xffff, v14;
	_ =	sdelay $0x5  }
0xa9: {  	v14, _, _ =	vpop (xrf0)  }
0xaa: {  	(v2sf) =	vpush v14, $0xF;
	_ =	sdelay $0x4  }
0xab: {  	v14 =	vld [tilespmem:$0x2120];
	_ =	sdelay $0x4  }
0xac: {  	(xrf0) =	vadd.scan.msk.s32 $0xffff, v14;
	_ =	sdelay $0x4  }
0xad: {  	s28 =	spop (v2sf)  }
0xae: {  	v14, _, _ =	vpop (xrf0);
	s26 =	sxor.u32 $0x80000000, s28  }
0xaf: {  	v14 =	vadd.s32 s26, v14  }
0xb0: {  	v15 =	vxor.u32 $0x80000000, v14  }
0xb1: {  	(xrf0) =	vmax.scan.msk.u32 $0xffff, v15;
	_ =	sdelay $0x5  }
0xb2: {  	v15, _, _ =	vpop (xrf0)  }
0xb3: {  	(v2sf) =	vpush v15, $0xF;
	_ =	sdelay $0x4  }
0xb4: {  	v15 =	vld [tilespmem:$0x2130];
	_ =	sdelay $0x4  }
0xb5: {  	(xrf0) =	vadd.scan.msk.s32 $0xffff, v15;
	_ =	sdelay $0x4  }
0xb6: {  	s29 =	spop (v2sf)  }
0xb7: {  	v15, _, _ =	vpop (xrf0);
	s26 =	sxor.u32 $0x80000000, s29  }
0xb8: {  	v15 =	vadd.s32 s26, v15  }
0xb9: {  	v60 =	vxor.u32 $0x80000000, v15  }
0xba: {  	(xrf0) =	vmax.scan.msk.u32 $0xffff, v60;
	_ =	sdelay $0x5  }
0xbb: {  	v17, _, _ =	vpop (xrf0)  }
0xbc: {  	(v2sf) =	vpush v17, $0xF;
	_ =	sdelay $0x4  }
0xbd: {  	v61 =	vld [tilespmem:$0x2140];
	_ =	sdelay $0x4  }
0xbe: {  	(xrf0) =	vadd.scan.msk.s32 $0xffff, v61;
	_ =	sdelay $0x4  }
0xbf: {  	s30 =	spop (v2sf)  }
0xc0: {  	v17, _, _ =	vpop (xrf0);
	s26 =	sxor.u32 $0x80000000, s30  }
0xc1: {  	v17 =	vadd.s32 s26, v17  }
0xc2: {  	v18 =	vxor.u32 $0x80000000, v17  }
0xc3: {  	(xrf0) =	vmax.scan.msk.u32 $0xffff, v18;
	_ =	sdelay $0x5  }
0xc4: {  	v18, _, _ =	vpop (xrf0)  }
0xc5: {  	(v2sf) =	vpush v18, $0xF;
	_ =	sdelay $0x1  }
0xc6: {  	s20 =	sxor.u32 $0x80000000, s20;
	s22 =	sxor.u32 $0x80000000, s22  }
0xc7: {  	p0 =	sgt.s32 s20, s22  }
0xc8: {  	s22 =	smov.u32 @p0 s20;
	s20 =	sxor.u32 $0x80000000, s31  }
0xc9: {  	p0 =	sgt.s32 s22, s20;
	v62 =	vld [tilespmem:$0x2150]  }
0xca: {  	s20 =	smov.u32 @p0 s22;
	s21 =	sadd.s32 s24, s21;
	s22 =	sxor.u32 $0x80000000, s25  }
0xcb: {  	s21 =	sadd.s32 $0x80000000, s21;
	p0 =	sgt.s32 s20, s22  }
0xcc: {  	v19 =	vmov s21;
	s22 =	smov.u32 @p0 s20  }
0xcd: {  	vm5 =	vlt.s32 v58, $0x3F;
	vm6 =	vgt.s32 v19, v0;
	p0 =	sgt.s32 s22, $0x0  }
0xce: {  	v16 =	vnsel vm5, $0x3F, v58;
	v63 =	vsel vm6, $0x1, v1;
	s22 =	simm.s32 @!p0 $0x0;
	vm1 =	vlt.s32 v13, $0x3F;
	(xrf0) =	vadd.scan.msk.s32 $0xffff, v62  }
0xcf: {  	vm7 =	vgt.s32 v19, v7;
	[tilespmem:$0x9200] =	vst v63;
	v16 =	vnsel vm6, s22, v16;
	v13 =	vnsel vm1, $0x3F, v13  }
0xd0: {  	[tilespmem:$0x9180] =	vst v16;
	v13 =	vnsel vm7, s22, v13;
	vm8 =	vlt.s32 v14, $0x3F  }
0xd1: {  	vm9 =	vgt.s32 v19, v8;
	[tilespmem:$0x9190] =	vst v13;
	v13 =	vsel vm7, $0x1, v1;
	v14 =	vnsel vm8, $0x3F, v14  }
0xd2: {  	[tilespmem:$0x9210] =	vst v13;
	v13 =	vnsel vm9, s22, v14;
	vm10 =	vlt.s32 v15, $0x3F  }
0xd3: {  	vm11 =	vgt.s32 v19, v9;
	[tilespmem:$0x91A0] =	vst v13;
	v13 =	vsel vm9, $0x1, v1;
	v14 =	vnsel vm10, $0x3F, v15;
	s31 =	spop (v2sf)  }
0xd4: {  	vm13 =	vgt.s32 v19, v10;
	[tilespmem:$0x9220] =	vst v13;
	v13 =	vnsel vm11, s22, v14;
	vm12 =	vlt.s32 v17, $0x3F;
	v15, _, _ =	vpop (xrf0);
	s20 =	sxor.u32 $0x80000000, s31  }
0xd5: {  	v14 =	vsel vm11, $0x1, v1;
	[tilespmem:$0x91B0] =	vst v13;
	v13 =	vnsel vm12, $0x3F, v17;
	v15 =	vadd.s32 s20, v15  }
0xd6: {  	[tilespmem:$0x9230] =	vst v14;
	v13 =	vnsel vm13, s22, v13;
	vm14 =	vlt.s32 v15, $0x3F  }
0xd7: {  	vm15 =	vgt.s32 v19, v11;
	[tilespmem:$0x91C0] =	vst v13;
	v13 =	vsel vm13, $0x1, v1;
	v14 =	vnsel vm14, $0x3F, v15  }
0xd8: {  	[tilespmem:$0x9240] =	vst v13;
	v13 =	vnsel vm15, s22, v14  }
0xd9: {  	[tilespmem:$0x91D0] =	vst v13;
	v13 =	vsel vm15, $0x1, v1  }
0xda: {  	s21 =	simm.s32 $0x0;
	s20 =	simm.s32 $0x0;
	[tilespmem:$0x9250] =	vst v13  }
.LBB2_5:
0xdb: {  	p0 =	sne.s32 s21, $0xBF00  }
.Ltmp2:
0xdc: {  	s22 =	sshra.s32 s21, $0x2;
	(pc) =	sbr.rel @p0 .LBB2_5-.Ltmp2, $4  }
0xdd: {  	[tilespmem:s22+$0x6180] =	vst v12  }
0xde: {  	[tilespmem:s22+$0x6190] =	vst v12  }
0xdf: {  	[tilespmem:s22+$0x61A0] =	vst v12  }
0xe0: {  	s21 =	sadd.s32 $0x100, s21;
	[tilespmem:s22+$0x61B0] =	vst v12  }
0xe1: {  	s21 =	simm.s32 $0x1010;
	s22 =	simm.s32 $0x5190;
	s23 =	simm.s32 $0x10  }
.LBB2_7:
0xe2: {  	v13 =	vld [tilespmem:s23+$0xFFFFFFF0];
	_ =	sdelay $0x6  }
0xe3: {  	v14 =	vld [tilespmem:s21+$0xFFFFFFF0]  }
0xe4: {  	v13 =	vld.idx.msk [tilespmem:v13+s14+$0x0], $0xffff;
	_ =	sdelay $0x4  }
0xe5: {  	v13 =	vadd.s32 v13, v14;
	_ =	sdelay $0x2  }
0xe6: {  	v14 =	vor.u32 s20, v0  }
0xe7: {  	v14 =	vshrl.u32 v14, $0x1  }
0xe8: {  	[tilespmem:v13+s15+$0x0] =	vst.idx.msk $0xffff, v14  }
0xe9: {  	v14 =	vld [tilespmem:s22+$0xFFFFFFF0];
	_ =	sdelay $0x4  }
0xea: {  	[tilespmem:v13+s16+$0x0] =	vst.idx.msk $0xffff, v14  }
0xeb: {  	v13 =	vld [tilespmem:s23+$0x0];
	_ =	sdelay $0x6  }
0xec: {  	v14 =	vld [tilespmem:s21+$0x0]  }
0xed: {  	v13 =	vld.idx.msk [tilespmem:v13+s14+$0x0], $0xffff;
	_ =	sdelay $0x4  }
0xee: {  	v13 =	vadd.s32 v13, v14;
	_ =	sdelay $0x1  }
0xef: {  	s24 =	sadd.s32 $0x10, s20  }
0xf0: {  	v14 =	vor.u32 s24, v0  }
0xf1: {  	v14 =	vshrl.u32 v14, $0x1  }
0xf2: {  	[tilespmem:v13+s15+$0x0] =	vst.idx.msk $0xffff, v14  }
0xf3: {  	p0 =	sne.s32 s20, $0xFE0;
	v14 =	vld [tilespmem:s22+$0x0]  }
.Ltmp3:
0xf4: {  	_ = 	snop;
	(pc) =	sbr.rel @p0 .LBB2_7-.Ltmp3, $3  }
0xf5: {  	_ =	sdelay $0x1  }
0xf6: {  	s20 =	sadd.s32 $0x20, s20  }
0xf7: {  	s21 =	sadd.s32 $0x20, s21;
	s23 =	sadd.s32 $0x20, s23;
	s22 =	sadd.s32 $0x20, s22;
	[tilespmem:v13+s16+$0x0] =	vst.idx.msk $0xffff, v14  }
0xf8: {  	[hbm4b:s5+s12] =	stream.linear.scatter [tilespmem:s15], [sflag:$0x1], $0x3000, $0x38;
	[tilespmem:$0x9280] =	vst v63  }
0xf9: {  	_ =	swait.ge [sflag:s13], $0x3000  }
0xfa: {  	[sflag:s13] =	ssyncset.done $0x0  }
0xfb: {  	[sflag:s13] =	ssyncadd.s32 $0xFFFFD000  }
0xfc: {  	[hbm4b:s2+s12] =	stream.linear.scatter [tilespmem:s16], [sflag:$0x1], $0x3000, $0x38;
	[tilespmem:$0x9280] =	vst v63  }
0xfd: {  	_ =	swait.ge [sflag:s13], $0x3000  }
0xfe: {  	[sflag:s13] =	ssyncset.done $0x0  }
0xff: {  	[sflag:s13] =	ssyncadd.s32 $0xFFFFD000  }
0x100: {  	[hbm4b:s6+s12] =	stream.linear.scatter [tilespmem:s17], [sflag:$0x1], $0x80, $0x38;
	[tilespmem:$0x9280] =	vst v63  }
0x101: {  	s19 =	sadd.s32 $0x1, s19;
	_ =	swait.ge [sflag:s13], $0x80  }
0x102: {  	p0 =	sne.s32 s19, s11;
	[sflag:s13] =	ssyncset.done $0x0  }
.Ltmp4:
0x103: {  	[sflag:s13] =	ssyncadd.s32 $0xFFFFFF80;
	(pc) =	sbr.rel @p0 .LBB2_2-.Ltmp4, $4  }
0x104: {  	[hbm4b:s7+s12] =	stream.linear.scatter [tilespmem:s18], [sflag:$0x1], $0x80, $0x38;
	[tilespmem:$0x9280] =	vst v63  }
0x105: {  	_ =	swait.ge [sflag:s13], $0x80  }
0x106: {  	[sflag:s13] =	ssyncset.done $0x0  }
0x107: {  	[sflag:s13] =	ssyncadd.s32 $0xFFFFFF80  }
.LBB2_9:
0x108: {  	_ =	sfence.sel $0x180000  }
0x109: {  	[bflag:$0x0] =	sbarrier.arrive $0xFFFF  }
0x10a: {  	p0 =	sne.s32 s0, $0x0;
	_ =	strace $0x90000047  }
0x10b: {  	s0 =	sadd.s32 @!p0 $0x100000, s1;
	[bflag:$0x2] =	sbarrier.arrive $0xFFFF  }
0x10c: {  	[sflag:s0] =	ssyncadd.tile.s32 @!p0 $0x1;
	_ =	shalt  }
.Lfunc_end2:
_tile_overlayer_lowered:
.L_overlay_start_2:
0x10d: {  	(tag) =	ssettag $0x2  }
0x10e: {  	s0 =	rddreg [dreg:$0x0];
	s2 =	stileid.u32  }
0x10f: {  	s1 =	rddreg [dreg:$0x1];
	p0 =	sne.s32 s2, $0x0  }
0x110: {  	s3 =	rddreg [dreg:$0x2];
	[bflag:$0x3] =	sbarrier.arrive $0xFFFF;
	s2 =	simm.s32 @!p0 $0x1C01  }
0x111: {  	[timem:s3], [sflag:s2] =	dma.local @!p0 [hbm:s0], s1  }
0x112: {  	s0 =	simm.s32 @!p0 $0x1  }
0x113: {  	_ =	swait.ge @!p0 [sflag:s0], s1  }
0x114: {  	s1 =	ssub.s32 @!p0 $0x0, s1;
	[sflag:s0] =	ssyncset.done @!p0 $0x0  }
0x115: {  	[sflag:s0] =	ssyncadd.s32 @!p0 s1  }
0x116: {  	[bflag:$0x3] =	sbarrier.arrive $0xFFFF  }
0x117: {  	_ =	shalt  }

</sc_bundles>
